<compile_context>
chip_gen: v7x
topology: tpu7x:2x2x1
jax: 0.10.2.dev20260603
libtpu: 0.0.44.dev20260713+nightly
codegen_flags: <defaults>
</compile_context>

<pallas_src>
import jax
import jax.numpy as jnp
from jax import lax
from jax.experimental import pallas as pl
from jax.experimental.pallas import tpu as pltpu
from jax.experimental.pallas import tpu_sc as plsc

B = 4096
EMB = 128
HIST = 50
NC = 2
NS = 16
NW = NC * NS
BPW = B // NW
LANES = 16
GROUPS = BPW // LANES
INV_HIST = 1.0 / HIST


def _sc_body(user_h, item_h, tag_t_h, user_e_h, tag_e_h, user_b_h,
             tag_b_h, item_q_h, out_h,
             idx_v, user_v, item_v, eidx_v, ebuf0, ebuf1, tbuf0, tbuf1,
             acc_v, urow_v, tb_v, ub_v, iq_v, out_v, shared_acc,
             sem_u, sem_g0, sem_g1, sem_t0, sem_t1, sem_s):
    c = lax.axis_index("c")
    s = lax.axis_index("s")
    wid = s * NC + c
    base = wid * BPW
    sbase = s * BPW

    pltpu.sync_copy(tag_t_h.at[:, pl.ds(base, BPW)], idx_v)
    pltpu.sync_copy(user_h.at[pl.ds(base, BPW)], user_v)
    pltpu.sync_copy(item_h.at[pl.ds(base, BPW)], item_v)

    d_ue = pltpu.async_copy(user_e_h.at[user_v], urow_v, sem_u)
    d_ub = pltpu.async_copy(user_b_h.at[user_v], ub_v, sem_u)
    d_iq = pltpu.async_copy(item_q_h.at[item_v], iq_v, sem_u)

    lanes = lax.iota(jnp.int32, LANES)
    zero16 = jnp.zeros((LANES,), jnp.float32)
    for g in range(GROUPS):
        eidx_v[pl.ds(g * LANES, LANES)] = lanes + (sbase + g * LANES)
        tb_v[pl.ds(g * LANES, LANES)] = zero16

    def tb_add(buf):
        for g in range(GROUPS):
            sl = pl.ds(g * LANES, LANES)
            tb_v[sl] = tb_v[sl] + buf[sl]

    d_g = pltpu.async_copy(tag_e_h.at[idx_v.at[0]], ebuf0, sem_g0)
    d_t = pltpu.async_copy(tag_b_h.at[idx_v.at[0]], tbuf0, sem_t0)
    d_g.wait()
    d_s = pltpu.async_copy(ebuf0, shared_acc.at[eidx_v], sem_s)
    d_t.wait()
    tb_add(tbuf0)
    d_s.wait()

    def pair(i, carry):
        l1 = 2 * i + 1
        l2 = 2 * i + 2
        dg1 = pltpu.async_copy(tag_e_h.at[idx_v.at[l1]], ebuf1, sem_g1)
        dt1 = pltpu.async_copy(tag_b_h.at[idx_v.at[l1]], tbuf1, sem_t1)
        dg0 = pltpu.async_copy(tag_e_h.at[idx_v.at[l2]], ebuf0, sem_g0)
        dt0 = pltpu.async_copy(tag_b_h.at[idx_v.at[l2]], tbuf0, sem_t0)
        dg1.wait()
        ds1 = pltpu.async_copy(ebuf1, shared_acc.at[eidx_v], sem_s, add=True)
        dt1.wait()
        tb_add(tbuf1)
        dg0.wait()
        ds0 = pltpu.async_copy(ebuf0, shared_acc.at[eidx_v], sem_s, add=True)
        dt0.wait()
        tb_add(tbuf0)
        ds1.wait()
        ds0.wait()
        return carry

    lax.fori_loop(0, (HIST - 2) // 2, pair, 0)

    d_g = pltpu.async_copy(tag_e_h.at[idx_v.at[HIST - 1]], ebuf1, sem_g1)
    d_t = pltpu.async_copy(tag_b_h.at[idx_v.at[HIST - 1]], tbuf1, sem_t1)
    d_g.wait()
    d_s = pltpu.async_copy(ebuf1, shared_acc.at[eidx_v], sem_s, add=True)
    d_t.wait()
    tb_add(tbuf1)
    d_s.wait()

    pltpu.sync_copy(shared_acc.at[pl.ds(sbase, BPW)], acc_v)
    d_ue.wait()
    d_ub.wait()
    d_iq.wait()

    def group(g, carry):
        rows = lanes + g * LANES

        def kstep(k, dot):
            col = jnp.zeros((LANES,), jnp.int32) + k
            a = plsc.load_gather(acc_v, [rows, col])
            u = plsc.load_gather(urow_v, [rows, col])
            return dot + a * u

        dot16 = lax.fori_loop(0, EMB, kstep, jnp.zeros((LANES,), jnp.float32))
        sl = pl.ds(g * LANES, LANES)
        out_v[sl] = (ub_v[sl] + tb_v[sl] * INV_HIST
                     + dot16 * INV_HIST + iq_v[sl])
        return carry

    lax.fori_loop(0, GROUPS, group, 0)
    pltpu.sync_copy(out_v, out_h.at[pl.ds(base, BPW)])


_sc_call = pl.kernel(
    _sc_body,
    out_type=jax.ShapeDtypeStruct((B,), jnp.float32),
    mesh=plsc.VectorSubcoreMesh(core_axis_name="c", subcore_axis_name="s"),
    scratch_types=[
        pltpu.VMEM((HIST, BPW), jnp.int32),
        pltpu.VMEM((BPW,), jnp.int32),
        pltpu.VMEM((BPW,), jnp.int32),
        pltpu.VMEM((BPW,), jnp.int32),
        pltpu.VMEM((BPW, EMB), jnp.float32),
        pltpu.VMEM((BPW, EMB), jnp.float32),
        pltpu.VMEM((BPW,), jnp.float32),
        pltpu.VMEM((BPW,), jnp.float32),
        pltpu.VMEM((BPW, EMB), jnp.float32),
        pltpu.VMEM((BPW, EMB), jnp.float32),
        pltpu.VMEM((BPW,), jnp.float32),
        pltpu.VMEM((BPW,), jnp.float32),
        pltpu.VMEM((BPW,), jnp.float32),
        pltpu.VMEM((BPW,), jnp.float32),
        pltpu.VMEM_SHARED((NS * BPW, EMB), jnp.float32),
        pltpu.SemaphoreType.DMA,
        pltpu.SemaphoreType.DMA,
        pltpu.SemaphoreType.DMA,
        pltpu.SemaphoreType.DMA,
        pltpu.SemaphoreType.DMA,
        pltpu.SemaphoreType.DMA,
    ],
    compiler_params=pltpu.CompilerParams(needs_layout_passes=False),
)


@jax.jit
def kernel(user, item, tag_index, user_e, tag_e, user_b, tag_b, item_q):
    tag_t = tag_index.astype(jnp.int32).T
    return _sc_call(user.astype(jnp.int32), item.astype(jnp.int32), tag_t,
                    user_e, tag_e, user_b.reshape(-1), tag_b.reshape(-1),
                    item_q.reshape(-1))

# --- scband reference (transcript-rebuilt; emitter-appended) ---
"""Pipeline reference for scband-xmc-net-63290638073960 (READ-ONLY COPY).

The authoritative reference and input builder live on the scoring server;
editing this copy changes nothing except your own understanding.
"""

import jax, jax.numpy as jnp
import numpy as np

NUM_USERS = 100000
NUM_MOVIES = 100000
NUM_ITEMS = 100000
EMB = 128
BATCH = 4096
HIST = 50

def setup_inputs(seed: int = 0) -> dict:
    key = jax.random.key(seed)
    ks = jax.random.split(key, 8)
    user = jax.random.randint(ks[0], (BATCH,), 0, NUM_USERS)
    item = jax.random.randint(ks[1], (BATCH,), 0, NUM_MOVIES)
    tag_index = jax.random.randint(ks[2], (BATCH, HIST), 0, NUM_ITEMS)
    # learned parameters (nn.Embedding weights, init std=0.1 per _init_weights)
    user_e = 0.1 * jax.random.normal(ks[3], (NUM_USERS, EMB), dtype=jnp.float32)
    tag_e = 0.1 * jax.random.normal(ks[4], (NUM_ITEMS, EMB), dtype=jnp.float32)
    user_b = 0.1 * jax.random.normal(ks[5], (NUM_USERS, 1), dtype=jnp.float32)
    tag_b = 0.1 * jax.random.normal(ks[6], (NUM_ITEMS, 1), dtype=jnp.float32)
    item_q = 0.1 * jax.random.normal(ks[7], (NUM_MOVIES, 1), dtype=jnp.float32)
    return {"user": user, "item": item, "tag_index": tag_index,
            "user_e": user_e, "tag_e": tag_e, "user_b": user_b,
            "tag_b": tag_b, "item_q": item_q}

def reference(user, item, tag_index, user_e, tag_e, user_b, tag_b, item_q):
    # Faithful port of XMC_Net.rating_forward
    user_embedding = jnp.take(user_e, user, axis=0)            # [B, EMB]
    all_tag_embedding = jnp.take(tag_e, tag_index, axis=0)     # [B, L, EMB]
    item_embedding = jnp.mean(all_tag_embedding, axis=1)       # [B, EMB]
    preds = jnp.take(user_b, user, axis=0)                     # [B, 1]
    preds = preds + jnp.mean(jnp.take(tag_b, tag_index, axis=0), axis=1)  # [B, 1]
    preds = preds + jnp.sum(user_embedding * item_embedding, axis=1, keepdims=True)
    preds = preds + jnp.take(item_q, item, axis=0)             # [B, 1]
    return jnp.squeeze(preds)

if __name__ == "__main__":
    import jax
    _d = setup_inputs()
    print(jax.jit(kernel)(*tuple(_d.values())))

</pallas_src>

<mosaic_0001>
#map = affine_map<(d0, d1) -> (0)>
#map1 = affine_map<(d0, d1) -> (0, 0)>
module attributes {stable_mosaic.version = 14 : i64} {
  func.func @_sc_body(%arg0: i32, %arg1: i32, %arg2: memref<4096xi32, #tpu.memory_space<hbm>>, %arg3: memref<4096xi32, #tpu.memory_space<hbm>>, %arg4: memref<50x4096xi32, #tpu.memory_space<hbm>>, %arg5: memref<100000x128xf32, #tpu.memory_space<hbm>>, %arg6: memref<100000x128xf32, #tpu.memory_space<hbm>>, %arg7: memref<100000xf32, #tpu.memory_space<hbm>>, %arg8: memref<100000xf32, #tpu.memory_space<hbm>>, %arg9: memref<100000xf32, #tpu.memory_space<hbm>>, %arg10: memref<4096xf32, #tpu.memory_space<hbm>>, %arg11: memref<50x128xi32, #tpu.memory_space<vmem>>, %arg12: memref<128xi32, #tpu.memory_space<vmem>>, %arg13: memref<128xi32, #tpu.memory_space<vmem>>, %arg14: memref<128xi32, #tpu.memory_space<vmem>>, %arg15: memref<128x128xf32, #tpu.memory_space<vmem>>, %arg16: memref<128x128xf32, #tpu.memory_space<vmem>>, %arg17: memref<128xf32, #tpu.memory_space<vmem>>, %arg18: memref<128xf32, #tpu.memory_space<vmem>>, %arg19: memref<128x128xf32, #tpu.memory_space<vmem>>, %arg20: memref<128x128xf32, #tpu.memory_space<vmem>>, %arg21: memref<128xf32, #tpu.memory_space<vmem>>, %arg22: memref<128xf32, #tpu.memory_space<vmem>>, %arg23: memref<128xf32, #tpu.memory_space<vmem>>, %arg24: memref<128xf32, #tpu.memory_space<vmem>>, %arg25: memref<2048x128xf32, #tpu.memory_space<vmem_shared>>, %arg26: memref<!tpu.dma_semaphore, #tpu.memory_space<semaphore_mem>>, %arg27: memref<!tpu.dma_semaphore, #tpu.memory_space<semaphore_mem>>, %arg28: memref<!tpu.dma_semaphore, #tpu.memory_space<semaphore_mem>>, %arg29: memref<!tpu.dma_semaphore, #tpu.memory_space<semaphore_mem>>, %arg30: memref<!tpu.dma_semaphore, #tpu.memory_space<semaphore_mem>>, %arg31: memref<!tpu.dma_semaphore, #tpu.memory_space<semaphore_mem>>) attributes {dimension_semantics = [#tpu.dimension_semantics<core_parallel>, #tpu.dimension_semantics<subcore_parallel>], iteration_bounds = array<i64: 2, 16>, scalar_prefetch = 0 : i64, scratch_operands = 21 : i64, tpu.core_type = #tpu.core_type<sc_vector_subcore>, window_params = [{transform_indices = #map}, {transform_indices = #map}, {transform_indices = #map1}, {transform_indices = #map1}, {transform_indices = #map1}, {transform_indices = #map}, {transform_indices = #map}, {transform_indices = #map}, {transform_indices = #map}]} {
    %mul3A = arith.constant 2 : i32
    %mul3A_0 = arith.muli %arg1, %mul3A : i32
    %add3A = arith.addi %mul3A_0, %arg0 : i32
    %mul3A_1 = arith.constant 128 : i32
    %mul3A_2 = arith.muli %add3A, %mul3A_1 : i32
    %mul3A_3 = arith.constant 128 : i32
    %mul3A_4 = arith.muli %arg1, %mul3A_3 : i32
    "tpu.region"() ({
      %run_scoped3A = tpu.sem_alloc : memref<!tpu.dma_semaphore, #tpu.memory_space<semaphore_mem>>
      %dma_start3A_267 = arith.constant 0 : i32
      %dma_start3A_268 = tpu.memref_slice %arg4[%dma_start3A_267, %mul3A_2] : memref<50x4096xi32, #tpu.memory_space<hbm>> -> memref<50x128xi32, #tpu.memory_space<hbm>>
      %dma_start3A_269 = arith.constant 0 : i32
      %dma_start3A_270 = tpu.memref_slice %arg4[%dma_start3A_269, %mul3A_2] : memref<50x4096xi32, #tpu.memory_space<hbm>> -> memref<50x128xi32, #tpu.memory_space<hbm>>
      tpu.enqueue_dma source(%dma_start3A_270 : memref<50x128xi32, #tpu.memory_space<hbm>>) target(%arg11 : memref<50x128xi32, #tpu.memory_space<vmem>>) target_semaphore(%run_scoped3A : memref<!tpu.dma_semaphore, #tpu.memory_space<semaphore_mem>>)
      %dma_wait3A_271 = arith.constant 0 : i32
      %dma_wait3A_272 = tpu.memref_slice %arg4[%dma_wait3A_271, %mul3A_2] : memref<50x4096xi32, #tpu.memory_space<hbm>> -> memref<50x128xi32, #tpu.memory_space<hbm>>
      %dma_wait3A_273 = arith.constant 0 : i32
      %dma_wait3A_274 = tpu.memref_slice %arg4[%dma_wait3A_273, %mul3A_2] : memref<50x4096xi32, #tpu.memory_space<hbm>> -> memref<50x128xi32, #tpu.memory_space<hbm>>
      tpu.wait_dma2 semaphore(%run_scoped3A : memref<!tpu.dma_semaphore, #tpu.memory_space<semaphore_mem>>) src(%dma_wait3A_274 : memref<50x128xi32, #tpu.memory_space<hbm>>) dst(%arg11 : memref<50x128xi32, #tpu.memory_space<vmem>>)
      tpu.yield
    }) : () -> ()
    "tpu.region"() ({
      %run_scoped3A = tpu.sem_alloc : memref<!tpu.dma_semaphore, #tpu.memory_space<semaphore_mem>>
      %dma_start3A_267 = tpu.memref_slice %arg2[%mul3A_2] : memref<4096xi32, #tpu.memory_space<hbm>> -> memref<128xi32, #tpu.memory_space<hbm>>
      %dma_start3A_268 = tpu.memref_slice %arg2[%mul3A_2] : memref<4096xi32, #tpu.memory_space<hbm>> -> memref<128xi32, #tpu.memory_space<hbm>>
      tpu.enqueue_dma source(%dma_start3A_268 : memref<128xi32, #tpu.memory_space<hbm>>) target(%arg12 : memref<128xi32, #tpu.memory_space<vmem>>) target_semaphore(%run_scoped3A : memref<!tpu.dma_semaphore, #tpu.memory_space<semaphore_mem>>)
      %dma_wait3A_269 = tpu.memref_slice %arg2[%mul3A_2] : memref<4096xi32, #tpu.memory_space<hbm>> -> memref<128xi32, #tpu.memory_space<hbm>>
      %dma_wait3A_270 = tpu.memref_slice %arg2[%mul3A_2] : memref<4096xi32, #tpu.memory_space<hbm>> -> memref<128xi32, #tpu.memory_space<hbm>>
      tpu.wait_dma2 semaphore(%run_scoped3A : memref<!tpu.dma_semaphore, #tpu.memory_space<semaphore_mem>>) src(%dma_wait3A_270 : memref<128xi32, #tpu.memory_space<hbm>>) dst(%arg12 : memref<128xi32, #tpu.memory_space<vmem>>)
      tpu.yield
    }) : () -> ()
    "tpu.region"() ({
      %run_scoped3A = tpu.sem_alloc : memref<!tpu.dma_semaphore, #tpu.memory_space<semaphore_mem>>
      %dma_start3A_267 = tpu.memref_slice %arg3[%mul3A_2] : memref<4096xi32, #tpu.memory_space<hbm>> -> memref<128xi32, #tpu.memory_space<hbm>>
      %dma_start3A_268 = tpu.memref_slice %arg3[%mul3A_2] : memref<4096xi32, #tpu.memory_space<hbm>> -> memref<128xi32, #tpu.memory_space<hbm>>
      tpu.enqueue_dma source(%dma_start3A_268 : memref<128xi32, #tpu.memory_space<hbm>>) target(%arg13 : memref<128xi32, #tpu.memory_space<vmem>>) target_semaphore(%run_scoped3A : memref<!tpu.dma_semaphore, #tpu.memory_space<semaphore_mem>>)
      %dma_wait3A_269 = tpu.memref_slice %arg3[%mul3A_2] : memref<4096xi32, #tpu.memory_space<hbm>> -> memref<128xi32, #tpu.memory_space<hbm>>
      %dma_wait3A_270 = tpu.memref_slice %arg3[%mul3A_2] : memref<4096xi32, #tpu.memory_space<hbm>> -> memref<128xi32, #tpu.memory_space<hbm>>
      tpu.wait_dma2 semaphore(%run_scoped3A : memref<!tpu.dma_semaphore, #tpu.memory_space<semaphore_mem>>) src(%dma_wait3A_270 : memref<128xi32, #tpu.memory_space<hbm>>) dst(%arg13 : memref<128xi32, #tpu.memory_space<vmem>>)
      tpu.yield
    }) : () -> ()
    %dma_start3A = arith.constant 0 : i32
    %dma_start3A_5 = arith.constant 0 : i32
    %dma_start3A_6 = tpu.memref_slice %arg5[%dma_start3A, %dma_start3A_5] : memref<100000x128xf32, #tpu.memory_space<hbm>> -> memref<100000x128xf32, #tpu.memory_space<hbm>>
    tpu.enqueue_indirect_dma source(%dma_start3A_6 : memref<100000x128xf32, #tpu.memory_space<hbm>>) target(%arg20 : memref<128x128xf32, #tpu.memory_space<vmem>>) offsets(%arg12 : memref<128xi32, #tpu.memory_space<vmem>>) semaphore(%arg26 : memref<!tpu.dma_semaphore, #tpu.memory_space<semaphore_mem>>)
    %dma_start3A_7 = arith.constant 0 : i32
    %dma_start3A_8 = tpu.memref_slice %arg7[%dma_start3A_7] : memref<100000xf32, #tpu.memory_space<hbm>> -> memref<100000xf32, #tpu.memory_space<hbm>>
    tpu.enqueue_indirect_dma source(%dma_start3A_8 : memref<100000xf32, #tpu.memory_space<hbm>>) target(%arg22 : memref<128xf32, #tpu.memory_space<vmem>>) offsets(%arg12 : memref<128xi32, #tpu.memory_space<vmem>>) semaphore(%arg26 : memref<!tpu.dma_semaphore, #tpu.memory_space<semaphore_mem>>)
    %dma_start3A_9 = arith.constant 0 : i32
    %dma_start3A_10 = tpu.memref_slice %arg9[%dma_start3A_9] : memref<100000xf32, #tpu.memory_space<hbm>> -> memref<100000xf32, #tpu.memory_space<hbm>>
    tpu.enqueue_indirect_dma source(%dma_start3A_10 : memref<100000xf32, #tpu.memory_space<hbm>>) target(%arg23 : memref<128xf32, #tpu.memory_space<vmem>>) offsets(%arg13 : memref<128xi32, #tpu.memory_space<vmem>>) semaphore(%arg26 : memref<!tpu.dma_semaphore, #tpu.memory_space<semaphore_mem>>)
    %iota3A = tpu.iota {dimensions = array<i32: 0>} : vector<16xi32>
    %broadcast_in_dim3A = arith.constant 0.000000e+00 : f32
    %broadcast_in_dim3A_11 = vector.broadcast %broadcast_in_dim3A : f32 to vector<16xf32>
    %add3A_12 = arith.constant 0 : i32
    %add3A_13 = arith.addi %mul3A_4, %add3A_12 : i32
    %add3A_14 = vector.broadcast %add3A_13 : i32 to vector<16xi32>
    %add3A_15 = arith.addi %iota3A, %add3A_14 : vector<16xi32>
    %swap3A = arith.constant 0 : index
    %swap3A_16 = tpu.vector_load %arg14[%swap3A] {strides = array<i32>} : memref<128xi32, #tpu.memory_space<vmem>>, vector<16xi32>,
    tpu.vector_store %arg14[%swap3A], %add3A_15 {strides = array<i32>} : memref<128xi32, #tpu.memory_space<vmem>>, vector<16xi32>,
    %swap3A_17 = arith.constant 0 : index
    %swap3A_18 = tpu.vector_load %arg21[%swap3A_17] {strides = array<i32>} : memref<128xf32, #tpu.memory_space<vmem>>, vector<16xf32>,
    tpu.vector_store %arg21[%swap3A_17], %broadcast_in_dim3A_11 {strides = array<i32>} : memref<128xf32, #tpu.memory_space<vmem>>, vector<16xf32>,
    %add3A_19 = arith.constant 16 : i32
    %add3A_20 = arith.addi %mul3A_4, %add3A_19 : i32
    %add3A_21 = vector.broadcast %add3A_20 : i32 to vector<16xi32>
    %add3A_22 = arith.addi %iota3A, %add3A_21 : vector<16xi32>
    %swap3A_23 = arith.constant 16 : index
    %swap3A_24 = tpu.vector_load %arg14[%swap3A_23] {strides = array<i32>} : memref<128xi32, #tpu.memory_space<vmem>>, vector<16xi32>,
    tpu.vector_store %arg14[%swap3A_23], %add3A_22 {strides = array<i32>} : memref<128xi32, #tpu.memory_space<vmem>>, vector<16xi32>,
    %swap3A_25 = arith.constant 16 : index
    %swap3A_26 = tpu.vector_load %arg21[%swap3A_25] {strides = array<i32>} : memref<128xf32, #tpu.memory_space<vmem>>, vector<16xf32>,
    tpu.vector_store %arg21[%swap3A_25], %broadcast_in_dim3A_11 {strides = array<i32>} : memref<128xf32, #tpu.memory_space<vmem>>, vector<16xf32>,
    %add3A_27 = arith.constant 32 : i32
    %add3A_28 = arith.addi %mul3A_4, %add3A_27 : i32
    %add3A_29 = vector.broadcast %add3A_28 : i32 to vector<16xi32>
    %add3A_30 = arith.addi %iota3A, %add3A_29 : vector<16xi32>
    %swap3A_31 = arith.constant 32 : index
    %swap3A_32 = tpu.vector_load %arg14[%swap3A_31] {strides = array<i32>} : memref<128xi32, #tpu.memory_space<vmem>>, vector<16xi32>,
    tpu.vector_store %arg14[%swap3A_31], %add3A_30 {strides = array<i32>} : memref<128xi32, #tpu.memory_space<vmem>>, vector<16xi32>,
    %swap3A_33 = arith.constant 32 : index
    %swap3A_34 = tpu.vector_load %arg21[%swap3A_33] {strides = array<i32>} : memref<128xf32, #tpu.memory_space<vmem>>, vector<16xf32>,
    tpu.vector_store %arg21[%swap3A_33], %broadcast_in_dim3A_11 {strides = array<i32>} : memref<128xf32, #tpu.memory_space<vmem>>, vector<16xf32>,
    %add3A_35 = arith.constant 48 : i32
    %add3A_36 = arith.addi %mul3A_4, %add3A_35 : i32
    %add3A_37 = vector.broadcast %add3A_36 : i32 to vector<16xi32>
    %add3A_38 = arith.addi %iota3A, %add3A_37 : vector<16xi32>
    %swap3A_39 = arith.constant 48 : index
    %swap3A_40 = tpu.vector_load %arg14[%swap3A_39] {strides = array<i32>} : memref<128xi32, #tpu.memory_space<vmem>>, vector<16xi32>,
    tpu.vector_store %arg14[%swap3A_39], %add3A_38 {strides = array<i32>} : memref<128xi32, #tpu.memory_space<vmem>>, vector<16xi32>,
    %swap3A_41 = arith.constant 48 : index
    %swap3A_42 = tpu.vector_load %arg21[%swap3A_41] {strides = array<i32>} : memref<128xf32, #tpu.memory_space<vmem>>, vector<16xf32>,
    tpu.vector_store %arg21[%swap3A_41], %broadcast_in_dim3A_11 {strides = array<i32>} : memref<128xf32, #tpu.memory_space<vmem>>, vector<16xf32>,
    %add3A_43 = arith.constant 64 : i32
    %add3A_44 = arith.addi %mul3A_4, %add3A_43 : i32
    %add3A_45 = vector.broadcast %add3A_44 : i32 to vector<16xi32>
    %add3A_46 = arith.addi %iota3A, %add3A_45 : vector<16xi32>
    %swap3A_47 = arith.constant 64 : index
    %swap3A_48 = tpu.vector_load %arg14[%swap3A_47] {strides = array<i32>} : memref<128xi32, #tpu.memory_space<vmem>>, vector<16xi32>,
    tpu.vector_store %arg14[%swap3A_47], %add3A_46 {strides = array<i32>} : memref<128xi32, #tpu.memory_space<vmem>>, vector<16xi32>,
    %swap3A_49 = arith.constant 64 : index
    %swap3A_50 = tpu.vector_load %arg21[%swap3A_49] {strides = array<i32>} : memref<128xf32, #tpu.memory_space<vmem>>, vector<16xf32>,
    tpu.vector_store %arg21[%swap3A_49], %broadcast_in_dim3A_11 {strides = array<i32>} : memref<128xf32, #tpu.memory_space<vmem>>, vector<16xf32>,
    %add3A_51 = arith.constant 80 : i32
    %add3A_52 = arith.addi %mul3A_4, %add3A_51 : i32
    %add3A_53 = vector.broadcast %add3A_52 : i32 to vector<16xi32>
    %add3A_54 = arith.addi %iota3A, %add3A_53 : vector<16xi32>
    %swap3A_55 = arith.constant 80 : index
    %swap3A_56 = tpu.vector_load %arg14[%swap3A_55] {strides = array<i32>} : memref<128xi32, #tpu.memory_space<vmem>>, vector<16xi32>,
    tpu.vector_store %arg14[%swap3A_55], %add3A_54 {strides = array<i32>} : memref<128xi32, #tpu.memory_space<vmem>>, vector<16xi32>,
    %swap3A_57 = arith.constant 80 : index
    %swap3A_58 = tpu.vector_load %arg21[%swap3A_57] {strides = array<i32>} : memref<128xf32, #tpu.memory_space<vmem>>, vector<16xf32>,
    tpu.vector_store %arg21[%swap3A_57], %broadcast_in_dim3A_11 {strides = array<i32>} : memref<128xf32, #tpu.memory_space<vmem>>, vector<16xf32>,
    %add3A_59 = arith.constant 96 : i32
    %add3A_60 = arith.addi %mul3A_4, %add3A_59 : i32
    %add3A_61 = vector.broadcast %add3A_60 : i32 to vector<16xi32>
    %add3A_62 = arith.addi %iota3A, %add3A_61 : vector<16xi32>
    %swap3A_63 = arith.constant 96 : index
    %swap3A_64 = tpu.vector_load %arg14[%swap3A_63] {strides = array<i32>} : memref<128xi32, #tpu.memory_space<vmem>>, vector<16xi32>,
    tpu.vector_store %arg14[%swap3A_63], %add3A_62 {strides = array<i32>} : memref<128xi32, #tpu.memory_space<vmem>>, vector<16xi32>,
    %swap3A_65 = arith.constant 96 : index
    %swap3A_66 = tpu.vector_load %arg21[%swap3A_65] {strides = array<i32>} : memref<128xf32, #tpu.memory_space<vmem>>, vector<16xf32>,
    tpu.vector_store %arg21[%swap3A_65], %broadcast_in_dim3A_11 {strides = array<i32>} : memref<128xf32, #tpu.memory_space<vmem>>, vector<16xf32>,
    %add3A_67 = arith.constant 112 : i32
    %add3A_68 = arith.addi %mul3A_4, %add3A_67 : i32
    %add3A_69 = vector.broadcast %add3A_68 : i32 to vector<16xi32>
    %add3A_70 = arith.addi %iota3A, %add3A_69 : vector<16xi32>
    %swap3A_71 = arith.constant 112 : index
    %swap3A_72 = tpu.vector_load %arg14[%swap3A_71] {strides = array<i32>} : memref<128xi32, #tpu.memory_space<vmem>>, vector<16xi32>,
    tpu.vector_store %arg14[%swap3A_71], %add3A_70 {strides = array<i32>} : memref<128xi32, #tpu.memory_space<vmem>>, vector<16xi32>,
    %swap3A_73 = arith.constant 112 : index
    %swap3A_74 = tpu.vector_load %arg21[%swap3A_73] {strides = array<i32>} : memref<128xf32, #tpu.memory_space<vmem>>, vector<16xf32>,
    tpu.vector_store %arg21[%swap3A_73], %broadcast_in_dim3A_11 {strides = array<i32>} : memref<128xf32, #tpu.memory_space<vmem>>, vector<16xf32>,
    %dma_start3A_75 = arith.constant 0 : i32
    %dma_start3A_76 = arith.constant 0 : i32
    %dma_start3A_77 = tpu.memref_slice %arg11[%dma_start3A_75, %dma_start3A_76] : memref<50x128xi32, #tpu.memory_space<vmem>> -> memref<1x128xi32, #tpu.memory_space<vmem>>
    %dma_start3A_78 = tpu.memref_squeeze %dma_start3A_77 : memref<1x128xi32, #tpu.memory_space<vmem>> -> memref<128xi32, #tpu.memory_space<vmem>>
    %dma_start3A_79 = arith.constant 0 : i32
    %dma_start3A_80 = arith.constant 0 : i32
    %dma_start3A_81 = tpu.memref_slice %arg6[%dma_start3A_79, %dma_start3A_80] : memref<100000x128xf32, #tpu.memory_space<hbm>> -> memref<100000x128xf32, #tpu.memory_space<hbm>>
    tpu.enqueue_indirect_dma source(%dma_start3A_81 : memref<100000x128xf32, #tpu.memory_space<hbm>>) target(%arg15 : memref<128x128xf32, #tpu.memory_space<vmem>>) offsets(%dma_start3A_78 : memref<128xi32, #tpu.memory_space<vmem>>) semaphore(%arg27 : memref<!tpu.dma_semaphore, #tpu.memory_space<semaphore_mem>>)
    %dma_start3A_82 = arith.constant 0 : i32
    %dma_start3A_83 = arith.constant 0 : i32
    %dma_start3A_84 = tpu.memref_slice %arg11[%dma_start3A_82, %dma_start3A_83] : memref<50x128xi32, #tpu.memory_space<vmem>> -> memref<1x128xi32, #tpu.memory_space<vmem>>
    %dma_start3A_85 = tpu.memref_squeeze %dma_start3A_84 : memref<1x128xi32, #tpu.memory_space<vmem>> -> memref<128xi32, #tpu.memory_space<vmem>>
    %dma_start3A_86 = arith.constant 0 : i32
    %dma_start3A_87 = tpu.memref_slice %arg8[%dma_start3A_86] : memref<100000xf32, #tpu.memory_space<hbm>> -> memref<100000xf32, #tpu.memory_space<hbm>>
    tpu.enqueue_indirect_dma source(%dma_start3A_87 : memref<100000xf32, #tpu.memory_space<hbm>>) target(%arg17 : memref<128xf32, #tpu.memory_space<vmem>>) offsets(%dma_start3A_85 : memref<128xi32, #tpu.memory_space<vmem>>) semaphore(%arg29 : memref<!tpu.dma_semaphore, #tpu.memory_space<semaphore_mem>>)
    %dma_wait3A = arith.constant 0 : i32
    %dma_wait3A_88 = arith.constant 0 : i32
    %dma_wait3A_89 = tpu.memref_slice %arg11[%dma_wait3A, %dma_wait3A_88] : memref<50x128xi32, #tpu.memory_space<vmem>> -> memref<1x128xi32, #tpu.memory_space<vmem>>
    %dma_wait3A_90 = tpu.memref_squeeze %dma_wait3A_89 : memref<1x128xi32, #tpu.memory_space<vmem>> -> memref<128xi32, #tpu.memory_space<vmem>>
    %dma_wait3A_91 = arith.constant 0 : i32
    %dma_wait3A_92 = arith.constant 0 : i32
    %dma_wait3A_93 = tpu.memref_slice %arg6[%dma_wait3A_91, %dma_wait3A_92] : memref<100000x128xf32, #tpu.memory_space<hbm>> -> memref<100000x128xf32, #tpu.memory_space<hbm>>
    tpu.wait_indirect_dma semaphore(%arg27 : memref<!tpu.dma_semaphore, #tpu.memory_space<semaphore_mem>>) src(%dma_wait3A_93 : memref<100000x128xf32, #tpu.memory_space<hbm>>) dst(%arg15 : memref<128x128xf32, #tpu.memory_space<vmem>>)
    %dma_start3A_94 = arith.constant 0 : i32
    %dma_start3A_95 = arith.constant 0 : i32
    %dma_start3A_96 = tpu.memref_slice %arg25[%dma_start3A_94, %dma_start3A_95] : memref<2048x128xf32, #tpu.memory_space<vmem_shared>> -> memref<2048x128xf32, #tpu.memory_space<vmem_shared>>
    tpu.enqueue_indirect_dma source(%arg15 : memref<128x128xf32, #tpu.memory_space<vmem>>) target(%dma_start3A_96 : memref<2048x128xf32, #tpu.memory_space<vmem_shared>>) offsets(%arg14 : memref<128xi32, #tpu.memory_space<vmem>>) semaphore(%arg31 : memref<!tpu.dma_semaphore, #tpu.memory_space<semaphore_mem>>)
    %dma_wait3A_97 = arith.constant 0 : i32
    %dma_wait3A_98 = arith.constant 0 : i32
    %dma_wait3A_99 = tpu.memref_slice %arg11[%dma_wait3A_97, %dma_wait3A_98] : memref<50x128xi32, #tpu.memory_space<vmem>> -> memref<1x128xi32, #tpu.memory_space<vmem>>
    %dma_wait3A_100 = tpu.memref_squeeze %dma_wait3A_99 : memref<1x128xi32, #tpu.memory_space<vmem>> -> memref<128xi32, #tpu.memory_space<vmem>>
    %dma_wait3A_101 = arith.constant 0 : i32
    %dma_wait3A_102 = tpu.memref_slice %arg8[%dma_wait3A_101] : memref<100000xf32, #tpu.memory_space<hbm>> -> memref<100000xf32, #tpu.memory_space<hbm>>
    tpu.wait_indirect_dma semaphore(%arg29 : memref<!tpu.dma_semaphore, #tpu.memory_space<semaphore_mem>>) src(%dma_wait3A_102 : memref<100000xf32, #tpu.memory_space<hbm>>) dst(%arg17 : memref<128xf32, #tpu.memory_space<vmem>>)
    %get3A = arith.constant 0 : index
    %get3A_103 = tpu.vector_load %arg21[%get3A] {strides = array<i32>} : memref<128xf32, #tpu.memory_space<vmem>>, vector<16xf32>,
    %get3A_104 = arith.constant 0 : index
    %get3A_105 = tpu.vector_load %arg17[%get3A_104] {strides = array<i32>} : memref<128xf32, #tpu.memory_space<vmem>>, vector<16xf32>,
    %add3A_106 = arith.addf %get3A_103, %get3A_105 : vector<16xf32>
    %swap3A_107 = arith.constant 0 : index
    %swap3A_108 = tpu.vector_load %arg21[%swap3A_107] {strides = array<i32>} : memref<128xf32, #tpu.memory_space<vmem>>, vector<16xf32>,
    tpu.vector_store %arg21[%swap3A_107], %add3A_106 {strides = array<i32>} : memref<128xf32, #tpu.memory_space<vmem>>, vector<16xf32>,
    %get3A_109 = arith.constant 16 : index
    %get3A_110 = tpu.vector_load %arg21[%get3A_109] {strides = array<i32>} : memref<128xf32, #tpu.memory_space<vmem>>, vector<16xf32>,
    %get3A_111 = arith.constant 16 : index
    %get3A_112 = tpu.vector_load %arg17[%get3A_111] {strides = array<i32>} : memref<128xf32, #tpu.memory_space<vmem>>, vector<16xf32>,
    %add3A_113 = arith.addf %get3A_110, %get3A_112 : vector<16xf32>
    %swap3A_114 = arith.constant 16 : index
    %swap3A_115 = tpu.vector_load %arg21[%swap3A_114] {strides = array<i32>} : memref<128xf32, #tpu.memory_space<vmem>>, vector<16xf32>,
    tpu.vector_store %arg21[%swap3A_114], %add3A_113 {strides = array<i32>} : memref<128xf32, #tpu.memory_space<vmem>>, vector<16xf32>,
    %get3A_116 = arith.constant 32 : index
    %get3A_117 = tpu.vector_load %arg21[%get3A_116] {strides = array<i32>} : memref<128xf32, #tpu.memory_space<vmem>>, vector<16xf32>,
    %get3A_118 = arith.constant 32 : index
    %get3A_119 = tpu.vector_load %arg17[%get3A_118] {strides = array<i32>} : memref<128xf32, #tpu.memory_space<vmem>>, vector<16xf32>,
    %add3A_120 = arith.addf %get3A_117, %get3A_119 : vector<16xf32>
    %swap3A_121 = arith.constant 32 : index
    %swap3A_122 = tpu.vector_load %arg21[%swap3A_121] {strides = array<i32>} : memref<128xf32, #tpu.memory_space<vmem>>, vector<16xf32>,
    tpu.vector_store %arg21[%swap3A_121], %add3A_120 {strides = array<i32>} : memref<128xf32, #tpu.memory_space<vmem>>, vector<16xf32>,
    %get3A_123 = arith.constant 48 : index
    %get3A_124 = tpu.vector_load %arg21[%get3A_123] {strides = array<i32>} : memref<128xf32, #tpu.memory_space<vmem>>, vector<16xf32>,
    %get3A_125 = arith.constant 48 : index
    %get3A_126 = tpu.vector_load %arg17[%get3A_125] {strides = array<i32>} : memref<128xf32, #tpu.memory_space<vmem>>, vector<16xf32>,
    %add3A_127 = arith.addf %get3A_124, %get3A_126 : vector<16xf32>
    %swap3A_128 = arith.constant 48 : index
    %swap3A_129 = tpu.vector_load %arg21[%swap3A_128] {strides = array<i32>} : memref<128xf32, #tpu.memory_space<vmem>>, vector<16xf32>,
    tpu.vector_store %arg21[%swap3A_128], %add3A_127 {strides = array<i32>} : memref<128xf32, #tpu.memory_space<vmem>>, vector<16xf32>,
    %get3A_130 = arith.constant 64 : index
    %get3A_131 = tpu.vector_load %arg21[%get3A_130] {strides = array<i32>} : memref<128xf32, #tpu.memory_space<vmem>>, vector<16xf32>,
    %get3A_132 = arith.constant 64 : index
    %get3A_133 = tpu.vector_load %arg17[%get3A_132] {strides = array<i32>} : memref<128xf32, #tpu.memory_space<vmem>>, vector<16xf32>,
    %add3A_134 = arith.addf %get3A_131, %get3A_133 : vector<16xf32>
    %swap3A_135 = arith.constant 64 : index
    %swap3A_136 = tpu.vector_load %arg21[%swap3A_135] {strides = array<i32>} : memref<128xf32, #tpu.memory_space<vmem>>, vector<16xf32>,
    tpu.vector_store %arg21[%swap3A_135], %add3A_134 {strides = array<i32>} : memref<128xf32, #tpu.memory_space<vmem>>, vector<16xf32>,
    %get3A_137 = arith.constant 80 : index
    %get3A_138 = tpu.vector_load %arg21[%get3A_137] {strides = array<i32>} : memref<128xf32, #tpu.memory_space<vmem>>, vector<16xf32>,
    %get3A_139 = arith.constant 80 : index
    %get3A_140 = tpu.vector_load %arg17[%get3A_139] {strides = array<i32>} : memref<128xf32, #tpu.memory_space<vmem>>, vector<16xf32>,
    %add3A_141 = arith.addf %get3A_138, %get3A_140 : vector<16xf32>
    %swap3A_142 = arith.constant 80 : index
    %swap3A_143 = tpu.vector_load %arg21[%swap3A_142] {strides = array<i32>} : memref<128xf32, #tpu.memory_space<vmem>>, vector<16xf32>,
    tpu.vector_store %arg21[%swap3A_142], %add3A_141 {strides = array<i32>} : memref<128xf32, #tpu.memory_space<vmem>>, vector<16xf32>,
    %get3A_144 = arith.constant 96 : index
    %get3A_145 = tpu.vector_load %arg21[%get3A_144] {strides = array<i32>} : memref<128xf32, #tpu.memory_space<vmem>>, vector<16xf32>,
    %get3A_146 = arith.constant 96 : index
    %get3A_147 = tpu.vector_load %arg17[%get3A_146] {strides = array<i32>} : memref<128xf32, #tpu.memory_space<vmem>>, vector<16xf32>,
    %add3A_148 = arith.addf %get3A_145, %get3A_147 : vector<16xf32>
    %swap3A_149 = arith.constant 96 : index
    %swap3A_150 = tpu.vector_load %arg21[%swap3A_149] {strides = array<i32>} : memref<128xf32, #tpu.memory_space<vmem>>, vector<16xf32>,
    tpu.vector_store %arg21[%swap3A_149], %add3A_148 {strides = array<i32>} : memref<128xf32, #tpu.memory_space<vmem>>, vector<16xf32>,
    %get3A_151 = arith.constant 112 : index
    %get3A_152 = tpu.vector_load %arg21[%get3A_151] {strides = array<i32>} : memref<128xf32, #tpu.memory_space<vmem>>, vector<16xf32>,
    %get3A_153 = arith.constant 112 : index
    %get3A_154 = tpu.vector_load %arg17[%get3A_153] {strides = array<i32>} : memref<128xf32, #tpu.memory_space<vmem>>, vector<16xf32>,
    %add3A_155 = arith.addf %get3A_152, %get3A_154 : vector<16xf32>
    %swap3A_156 = arith.constant 112 : index
    %swap3A_157 = tpu.vector_load %arg21[%swap3A_156] {strides = array<i32>} : memref<128xf32, #tpu.memory_space<vmem>>, vector<16xf32>,
    tpu.vector_store %arg21[%swap3A_156], %add3A_155 {strides = array<i32>} : memref<128xf32, #tpu.memory_space<vmem>>, vector<16xf32>,
    %dma_wait3A_158 = arith.constant 0 : i32
    %dma_wait3A_159 = arith.constant 0 : i32
    %dma_wait3A_160 = tpu.memref_slice %arg25[%dma_wait3A_158, %dma_wait3A_159] : memref<2048x128xf32, #tpu.memory_space<vmem_shared>> -> memref<2048x128xf32, #tpu.memory_space<vmem_shared>>
    tpu.wait_indirect_dma semaphore(%arg31 : memref<!tpu.dma_semaphore, #tpu.memory_space<semaphore_mem>>) src(%arg15 : memref<128x128xf32, #tpu.memory_space<vmem>>) dst(%dma_wait3A_160 : memref<2048x128xf32, #tpu.memory_space<vmem_shared>>)
    %scan3A = arith.constant 0 : i32
    %scan3A_161 = arith.constant 0 : i32
    %scan3A_162 = arith.constant 24 : i32
    %scan3A_163 = arith.addi %scan3A_161, %scan3A_162 : i32
    %scan3A_164 = arith.constant 1 : i32
    scf.for %scan3A_267 = %scan3A_161 to %scan3A_163 step %scan3A_164  : i32 {
      %mul3A_268 = arith.constant 2 : i32
      %mul3A_269 = arith.muli %mul3A_268, %scan3A_267 : i32
      %add3A_270 = arith.constant 1 : i32
      %add3A_271 = arith.addi %mul3A_269, %add3A_270 : i32
      %mul3A_272 = arith.constant 2 : i32
      %mul3A_273 = arith.muli %mul3A_272, %scan3A_267 : i32
      %add3A_274 = arith.constant 2 : i32
      %add3A_275 = arith.addi %mul3A_273, %add3A_274 : i32
      %dma_start3A_276 = arith.constant 0 : i32
      %dma_start3A_277 = tpu.memref_slice %arg11[%add3A_271, %dma_start3A_276] : memref<50x128xi32, #tpu.memory_space<vmem>> -> memref<1x128xi32, #tpu.memory_space<vmem>>
      %dma_start3A_278 = tpu.memref_squeeze %dma_start3A_277 : memref<1x128xi32, #tpu.memory_space<vmem>> -> memref<128xi32, #tpu.memory_space<vmem>>
      %dma_start3A_279 = arith.constant 0 : i32
      %dma_start3A_280 = arith.constant 0 : i32
      %dma_start3A_281 = tpu.memref_slice %arg6[%dma_start3A_279, %dma_start3A_280] : memref<100000x128xf32, #tpu.memory_space<hbm>> -> memref<100000x128xf32, #tpu.memory_space<hbm>>
      tpu.enqueue_indirect_dma source(%dma_start3A_281 : memref<100000x128xf32, #tpu.memory_space<hbm>>) target(%arg16 : memref<128x128xf32, #tpu.memory_space<vmem>>) offsets(%dma_start3A_278 : memref<128xi32, #tpu.memory_space<vmem>>) semaphore(%arg28 : memref<!tpu.dma_semaphore, #tpu.memory_space<semaphore_mem>>)
      %dma_start3A_282 = arith.constant 0 : i32
      %dma_start3A_283 = tpu.memref_slice %arg11[%add3A_271, %dma_start3A_282] : memref<50x128xi32, #tpu.memory_space<vmem>> -> memref<1x128xi32, #tpu.memory_space<vmem>>
      %dma_start3A_284 = tpu.memref_squeeze %dma_start3A_283 : memref<1x128xi32, #tpu.memory_space<vmem>> -> memref<128xi32, #tpu.memory_space<vmem>>
      %dma_start3A_285 = arith.constant 0 : i32
      %dma_start3A_286 = tpu.memref_slice %arg8[%dma_start3A_285] : memref<100000xf32, #tpu.memory_space<hbm>> -> memref<100000xf32, #tpu.memory_space<hbm>>
      tpu.enqueue_indirect_dma source(%dma_start3A_286 : memref<100000xf32, #tpu.memory_space<hbm>>) target(%arg18 : memref<128xf32, #tpu.memory_space<vmem>>) offsets(%dma_start3A_284 : memref<128xi32, #tpu.memory_space<vmem>>) semaphore(%arg30 : memref<!tpu.dma_semaphore, #tpu.memory_space<semaphore_mem>>)
      %dma_start3A_287 = arith.constant 0 : i32
      %dma_start3A_288 = tpu.memref_slice %arg11[%add3A_275, %dma_start3A_287] : memref<50x128xi32, #tpu.memory_space<vmem>> -> memref<1x128xi32, #tpu.memory_space<vmem>>
      %dma_start3A_289 = tpu.memref_squeeze %dma_start3A_288 : memref<1x128xi32, #tpu.memory_space<vmem>> -> memref<128xi32, #tpu.memory_space<vmem>>
      %dma_start3A_290 = arith.constant 0 : i32
      %dma_start3A_291 = arith.constant 0 : i32
      %dma_start3A_292 = tpu.memref_slice %arg6[%dma_start3A_290, %dma_start3A_291] : memref<100000x128xf32, #tpu.memory_space<hbm>> -> memref<100000x128xf32, #tpu.memory_space<hbm>>
      tpu.enqueue_indirect_dma source(%dma_start3A_292 : memref<100000x128xf32, #tpu.memory_space<hbm>>) target(%arg15 : memref<128x128xf32, #tpu.memory_space<vmem>>) offsets(%dma_start3A_289 : memref<128xi32, #tpu.memory_space<vmem>>) semaphore(%arg27 : memref<!tpu.dma_semaphore, #tpu.memory_space<semaphore_mem>>)
      %dma_start3A_293 = arith.constant 0 : i32
      %dma_start3A_294 = tpu.memref_slice %arg11[%add3A_275, %dma_start3A_293] : memref<50x128xi32, #tpu.memory_space<vmem>> -> memref<1x128xi32, #tpu.memory_space<vmem>>
      %dma_start3A_295 = tpu.memref_squeeze %dma_start3A_294 : memref<1x128xi32, #tpu.memory_space<vmem>> -> memref<128xi32, #tpu.memory_space<vmem>>
      %dma_start3A_296 = arith.constant 0 : i32
      %dma_start3A_297 = tpu.memref_slice %arg8[%dma_start3A_296] : memref<100000xf32, #tpu.memory_space<hbm>> -> memref<100000xf32, #tpu.memory_space<hbm>>
      tpu.enqueue_indirect_dma source(%dma_start3A_297 : memref<100000xf32, #tpu.memory_space<hbm>>) target(%arg17 : memref<128xf32, #tpu.memory_space<vmem>>) offsets(%dma_start3A_295 : memref<128xi32, #tpu.memory_space<vmem>>) semaphore(%arg29 : memref<!tpu.dma_semaphore, #tpu.memory_space<semaphore_mem>>)
      %dma_wait3A_298 = arith.constant 0 : i32
      %dma_wait3A_299 = tpu.memref_slice %arg11[%add3A_271, %dma_wait3A_298] : memref<50x128xi32, #tpu.memory_space<vmem>> -> memref<1x128xi32, #tpu.memory_space<vmem>>
      %dma_wait3A_300 = tpu.memref_squeeze %dma_wait3A_299 : memref<1x128xi32, #tpu.memory_space<vmem>> -> memref<128xi32, #tpu.memory_space<vmem>>
      %dma_wait3A_301 = arith.constant 0 : i32
      %dma_wait3A_302 = arith.constant 0 : i32
      %dma_wait3A_303 = tpu.memref_slice %arg6[%dma_wait3A_301, %dma_wait3A_302] : memref<100000x128xf32, #tpu.memory_space<hbm>> -> memref<100000x128xf32, #tpu.memory_space<hbm>>
      tpu.wait_indirect_dma semaphore(%arg28 : memref<!tpu.dma_semaphore, #tpu.memory_space<semaphore_mem>>) src(%dma_wait3A_303 : memref<100000x128xf32, #tpu.memory_space<hbm>>) dst(%arg16 : memref<128x128xf32, #tpu.memory_space<vmem>>)
      %dma_start3A_304 = arith.constant 0 : i32
      %dma_start3A_305 = arith.constant 0 : i32
      %dma_start3A_306 = tpu.memref_slice %arg25[%dma_start3A_304, %dma_start3A_305] : memref<2048x128xf32, #tpu.memory_space<vmem_shared>> -> memref<2048x128xf32, #tpu.memory_space<vmem_shared>>
      tpu.enqueue_indirect_dma source(%arg16 : memref<128x128xf32, #tpu.memory_space<vmem>>) target(%dma_start3A_306 : memref<2048x128xf32, #tpu.memory_space<vmem_shared>>) offsets(%arg14 : memref<128xi32, #tpu.memory_space<vmem>>) semaphore(%arg31 : memref<!tpu.dma_semaphore, #tpu.memory_space<semaphore_mem>>) {add = true}
      %dma_wait3A_307 = arith.constant 0 : i32
      %dma_wait3A_308 = tpu.memref_slice %arg11[%add3A_271, %dma_wait3A_307] : memref<50x128xi32, #tpu.memory_space<vmem>> -> memref<1x128xi32, #tpu.memory_space<vmem>>
      %dma_wait3A_309 = tpu.memref_squeeze %dma_wait3A_308 : memref<1x128xi32, #tpu.memory_space<vmem>> -> memref<128xi32, #tpu.memory_space<vmem>>
      %dma_wait3A_310 = arith.constant 0 : i32
      %dma_wait3A_311 = tpu.memref_slice %arg8[%dma_wait3A_310] : memref<100000xf32, #tpu.memory_space<hbm>> -> memref<100000xf32, #tpu.memory_space<hbm>>
      tpu.wait_indirect_dma semaphore(%arg30 : memref<!tpu.dma_semaphore, #tpu.memory_space<semaphore_mem>>) src(%dma_wait3A_311 : memref<100000xf32, #tpu.memory_space<hbm>>) dst(%arg18 : memref<128xf32, #tpu.memory_space<vmem>>)
      %get3A_312 = arith.constant 0 : index
      %get3A_313 = tpu.vector_load %arg21[%get3A_312] {strides = array<i32>} : memref<128xf32, #tpu.memory_space<vmem>>, vector<16xf32>,
      %get3A_314 = arith.constant 0 : index
      %get3A_315 = tpu.vector_load %arg18[%get3A_314] {strides = array<i32>} : memref<128xf32, #tpu.memory_space<vmem>>, vector<16xf32>,
      %add3A_316 = arith.addf %get3A_313, %get3A_315 : vector<16xf32>
      %swap3A_317 = arith.constant 0 : index
      %swap3A_318 = tpu.vector_load %arg21[%swap3A_317] {strides = array<i32>} : memref<128xf32, #tpu.memory_space<vmem>>, vector<16xf32>,
      tpu.vector_store %arg21[%swap3A_317], %add3A_316 {strides = array<i32>} : memref<128xf32, #tpu.memory_space<vmem>>, vector<16xf32>,
      %get3A_319 = arith.constant 16 : index
      %get3A_320 = tpu.vector_load %arg21[%get3A_319] {strides = array<i32>} : memref<128xf32, #tpu.memory_space<vmem>>, vector<16xf32>,
      %get3A_321 = arith.constant 16 : index
      %get3A_322 = tpu.vector_load %arg18[%get3A_321] {strides = array<i32>} : memref<128xf32, #tpu.memory_space<vmem>>, vector<16xf32>,
      %add3A_323 = arith.addf %get3A_320, %get3A_322 : vector<16xf32>
      %swap3A_324 = arith.constant 16 : index
      %swap3A_325 = tpu.vector_load %arg21[%swap3A_324] {strides = array<i32>} : memref<128xf32, #tpu.memory_space<vmem>>, vector<16xf32>,
      tpu.vector_store %arg21[%swap3A_324], %add3A_323 {strides = array<i32>} : memref<128xf32, #tpu.memory_space<vmem>>, vector<16xf32>,
      %get3A_326 = arith.constant 32 : index
      %get3A_327 = tpu.vector_load %arg21[%get3A_326] {strides = array<i32>} : memref<128xf32, #tpu.memory_space<vmem>>, vector<16xf32>,
      %get3A_328 = arith.constant 32 : index
      %get3A_329 = tpu.vector_load %arg18[%get3A_328] {strides = array<i32>} : memref<128xf32, #tpu.memory_space<vmem>>, vector<16xf32>,
      %add3A_330 = arith.addf %get3A_327, %get3A_329 : vector<16xf32>
      %swap3A_331 = arith.constant 32 : index
      %swap3A_332 = tpu.vector_load %arg21[%swap3A_331] {strides = array<i32>} : memref<128xf32, #tpu.memory_space<vmem>>, vector<16xf32>,
      tpu.vector_store %arg21[%swap3A_331], %add3A_330 {strides = array<i32>} : memref<128xf32, #tpu.memory_space<vmem>>, vector<16xf32>,
      %get3A_333 = arith.constant 48 : index
      %get3A_334 = tpu.vector_load %arg21[%get3A_333] {strides = array<i32>} : memref<128xf32, #tpu.memory_space<vmem>>, vector<16xf32>,
      %get3A_335 = arith.constant 48 : index
      %get3A_336 = tpu.vector_load %arg18[%get3A_335] {strides = array<i32>} : memref<128xf32, #tpu.memory_space<vmem>>, vector<16xf32>,
      %add3A_337 = arith.addf %get3A_334, %get3A_336 : vector<16xf32>
      %swap3A_338 = arith.constant 48 : index
      %swap3A_339 = tpu.vector_load %arg21[%swap3A_338] {strides = array<i32>} : memref<128xf32, #tpu.memory_space<vmem>>, vector<16xf32>,
      tpu.vector_store %arg21[%swap3A_338], %add3A_337 {strides = array<i32>} : memref<128xf32, #tpu.memory_space<vmem>>, vector<16xf32>,
      %get3A_340 = arith.constant 64 : index
      %get3A_341 = tpu.vector_load %arg21[%get3A_340] {strides = array<i32>} : memref<128xf32, #tpu.memory_space<vmem>>, vector<16xf32>,
      %get3A_342 = arith.constant 64 : index
      %get3A_343 = tpu.vector_load %arg18[%get3A_342] {strides = array<i32>} : memref<128xf32, #tpu.memory_space<vmem>>, vector<16xf32>,
      %add3A_344 = arith.addf %get3A_341, %get3A_343 : vector<16xf32>
      %swap3A_345 = arith.constant 64 : index
      %swap3A_346 = tpu.vector_load %arg21[%swap3A_345] {strides = array<i32>} : memref<128xf32, #tpu.memory_space<vmem>>, vector<16xf32>,
      tpu.vector_store %arg21[%swap3A_345], %add3A_344 {strides = array<i32>} : memref<128xf32, #tpu.memory_space<vmem>>, vector<16xf32>,
      %get3A_347 = arith.constant 80 : index
      %get3A_348 = tpu.vector_load %arg21[%get3A_347] {strides = array<i32>} : memref<128xf32, #tpu.memory_space<vmem>>, vector<16xf32>,
      %get3A_349 = arith.constant 80 : index
      %get3A_350 = tpu.vector_load %arg18[%get3A_349] {strides = array<i32>} : memref<128xf32, #tpu.memory_space<vmem>>, vector<16xf32>,
      %add3A_351 = arith.addf %get3A_348, %get3A_350 : vector<16xf32>
      %swap3A_352 = arith.constant 80 : index
      %swap3A_353 = tpu.vector_load %arg21[%swap3A_352] {strides = array<i32>} : memref<128xf32, #tpu.memory_space<vmem>>, vector<16xf32>,
      tpu.vector_store %arg21[%swap3A_352], %add3A_351 {strides = array<i32>} : memref<128xf32, #tpu.memory_space<vmem>>, vector<16xf32>,
      %get3A_354 = arith.constant 96 : index
      %get3A_355 = tpu.vector_load %arg21[%get3A_354] {strides = array<i32>} : memref<128xf32, #tpu.memory_space<vmem>>, vector<16xf32>,
      %get3A_356 = arith.constant 96 : index
      %get3A_357 = tpu.vector_load %arg18[%get3A_356] {strides = array<i32>} : memref<128xf32, #tpu.memory_space<vmem>>, vector<16xf32>,
      %add3A_358 = arith.addf %get3A_355, %get3A_357 : vector<16xf32>
      %swap3A_359 = arith.constant 96 : index
      %swap3A_360 = tpu.vector_load %arg21[%swap3A_359] {strides = array<i32>} : memref<128xf32, #tpu.memory_space<vmem>>, vector<16xf32>,
      tpu.vector_store %arg21[%swap3A_359], %add3A_358 {strides = array<i32>} : memref<128xf32, #tpu.memory_space<vmem>>, vector<16xf32>,
      %get3A_361 = arith.constant 112 : index
      %get3A_362 = tpu.vector_load %arg21[%get3A_361] {strides = array<i32>} : memref<128xf32, #tpu.memory_space<vmem>>, vector<16xf32>,
      %get3A_363 = arith.constant 112 : index
      %get3A_364 = tpu.vector_load %arg18[%get3A_363] {strides = array<i32>} : memref<128xf32, #tpu.memory_space<vmem>>, vector<16xf32>,
      %add3A_365 = arith.addf %get3A_362, %get3A_364 : vector<16xf32>
      %swap3A_366 = arith.constant 112 : index
      %swap3A_367 = tpu.vector_load %arg21[%swap3A_366] {strides = array<i32>} : memref<128xf32, #tpu.memory_space<vmem>>, vector<16xf32>,
      tpu.vector_store %arg21[%swap3A_366], %add3A_365 {strides = array<i32>} : memref<128xf32, #tpu.memory_space<vmem>>, vector<16xf32>,
      %dma_wait3A_368 = arith.constant 0 : i32
      %dma_wait3A_369 = tpu.memref_slice %arg11[%add3A_275, %dma_wait3A_368] : memref<50x128xi32, #tpu.memory_space<vmem>> -> memref<1x128xi32, #tpu.memory_space<vmem>>
      %dma_wait3A_370 = tpu.memref_squeeze %dma_wait3A_369 : memref<1x128xi32, #tpu.memory_space<vmem>> -> memref<128xi32, #tpu.memory_space<vmem>>
      %dma_wait3A_371 = arith.constant 0 : i32
      %dma_wait3A_372 = arith.constant 0 : i32
      %dma_wait3A_373 = tpu.memref_slice %arg6[%dma_wait3A_371, %dma_wait3A_372] : memref<100000x128xf32, #tpu.memory_space<hbm>> -> memref<100000x128xf32, #tpu.memory_space<hbm>>
      tpu.wait_indirect_dma semaphore(%arg27 : memref<!tpu.dma_semaphore, #tpu.memory_space<semaphore_mem>>) src(%dma_wait3A_373 : memref<100000x128xf32, #tpu.memory_space<hbm>>) dst(%arg15 : memref<128x128xf32, #tpu.memory_space<vmem>>)
      %dma_start3A_374 = arith.constant 0 : i32
      %dma_start3A_375 = arith.constant 0 : i32
      %dma_start3A_376 = tpu.memref_slice %arg25[%dma_start3A_374, %dma_start3A_375] : memref<2048x128xf32, #tpu.memory_space<vmem_shared>> -> memref<2048x128xf32, #tpu.memory_space<vmem_shared>>
      tpu.enqueue_indirect_dma source(%arg15 : memref<128x128xf32, #tpu.memory_space<vmem>>) target(%dma_start3A_376 : memref<2048x128xf32, #tpu.memory_space<vmem_shared>>) offsets(%arg14 : memref<128xi32, #tpu.memory_space<vmem>>) semaphore(%arg31 : memref<!tpu.dma_semaphore, #tpu.memory_space<semaphore_mem>>) {add = true}
      %dma_wait3A_377 = arith.constant 0 : i32
      %dma_wait3A_378 = tpu.memref_slice %arg11[%add3A_275, %dma_wait3A_377] : memref<50x128xi32, #tpu.memory_space<vmem>> -> memref<1x128xi32, #tpu.memory_space<vmem>>
      %dma_wait3A_379 = tpu.memref_squeeze %dma_wait3A_378 : memref<1x128xi32, #tpu.memory_space<vmem>> -> memref<128xi32, #tpu.memory_space<vmem>>
      %dma_wait3A_380 = arith.constant 0 : i32
      %dma_wait3A_381 = tpu.memref_slice %arg8[%dma_wait3A_380] : memref<100000xf32, #tpu.memory_space<hbm>> -> memref<100000xf32, #tpu.memory_space<hbm>>
      tpu.wait_indirect_dma semaphore(%arg29 : memref<!tpu.dma_semaphore, #tpu.memory_space<semaphore_mem>>) src(%dma_wait3A_381 : memref<100000xf32, #tpu.memory_space<hbm>>) dst(%arg17 : memref<128xf32, #tpu.memory_space<vmem>>)
      %get3A_382 = arith.constant 0 : index
      %get3A_383 = tpu.vector_load %arg21[%get3A_382] {strides = array<i32>} : memref<128xf32, #tpu.memory_space<vmem>>, vector<16xf32>,
      %get3A_384 = arith.constant 0 : index
      %get3A_385 = tpu.vector_load %arg17[%get3A_384] {strides = array<i32>} : memref<128xf32, #tpu.memory_space<vmem>>, vector<16xf32>,
      %add3A_386 = arith.addf %get3A_383, %get3A_385 : vector<16xf32>
      %swap3A_387 = arith.constant 0 : index
      %swap3A_388 = tpu.vector_load %arg21[%swap3A_387] {strides = array<i32>} : memref<128xf32, #tpu.memory_space<vmem>>, vector<16xf32>,
      tpu.vector_store %arg21[%swap3A_387], %add3A_386 {strides = array<i32>} : memref<128xf32, #tpu.memory_space<vmem>>, vector<16xf32>,
      %get3A_389 = arith.constant 16 : index
      %get3A_390 = tpu.vector_load %arg21[%get3A_389] {strides = array<i32>} : memref<128xf32, #tpu.memory_space<vmem>>, vector<16xf32>,
      %get3A_391 = arith.constant 16 : index
      %get3A_392 = tpu.vector_load %arg17[%get3A_391] {strides = array<i32>} : memref<128xf32, #tpu.memory_space<vmem>>, vector<16xf32>,
      %add3A_393 = arith.addf %get3A_390, %get3A_392 : vector<16xf32>
      %swap3A_394 = arith.constant 16 : index
      %swap3A_395 = tpu.vector_load %arg21[%swap3A_394] {strides = array<i32>} : memref<128xf32, #tpu.memory_space<vmem>>, vector<16xf32>,
      tpu.vector_store %arg21[%swap3A_394], %add3A_393 {strides = array<i32>} : memref<128xf32, #tpu.memory_space<vmem>>, vector<16xf32>,
      %get3A_396 = arith.constant 32 : index
      %get3A_397 = tpu.vector_load %arg21[%get3A_396] {strides = array<i32>} : memref<128xf32, #tpu.memory_space<vmem>>, vector<16xf32>,
      %get3A_398 = arith.constant 32 : index
      %get3A_399 = tpu.vector_load %arg17[%get3A_398] {strides = array<i32>} : memref<128xf32, #tpu.memory_space<vmem>>, vector<16xf32>,
      %add3A_400 = arith.addf %get3A_397, %get3A_399 : vector<16xf32>
      %swap3A_401 = arith.constant 32 : index
      %swap3A_402 = tpu.vector_load %arg21[%swap3A_401] {strides = array<i32>} : memref<128xf32, #tpu.memory_space<vmem>>, vector<16xf32>,
      tpu.vector_store %arg21[%swap3A_401], %add3A_400 {strides = array<i32>} : memref<128xf32, #tpu.memory_space<vmem>>, vector<16xf32>,
      %get3A_403 = arith.constant 48 : index
      %get3A_404 = tpu.vector_load %arg21[%get3A_403] {strides = array<i32>} : memref<128xf32, #tpu.memory_space<vmem>>, vector<16xf32>,
      %get3A_405 = arith.constant 48 : index
      %get3A_406 = tpu.vector_load %arg17[%get3A_405] {strides = array<i32>} : memref<128xf32, #tpu.memory_space<vmem>>, vector<16xf32>,
      %add3A_407 = arith.addf %get3A_404, %get3A_406 : vector<16xf32>
      %swap3A_408 = arith.constant 48 : index
      %swap3A_409 = tpu.vector_load %arg21[%swap3A_408] {strides = array<i32>} : memref<128xf32, #tpu.memory_space<vmem>>, vector<16xf32>,
      tpu.vector_store %arg21[%swap3A_408], %add3A_407 {strides = array<i32>} : memref<128xf32, #tpu.memory_space<vmem>>, vector<16xf32>,
      %get3A_410 = arith.constant 64 : index
      %get3A_411 = tpu.vector_load %arg21[%get3A_410] {strides = array<i32>} : memref<128xf32, #tpu.memory_space<vmem>>, vector<16xf32>,
      %get3A_412 = arith.constant 64 : index
      %get3A_413 = tpu.vector_load %arg17[%get3A_412] {strides = array<i32>} : memref<128xf32, #tpu.memory_space<vmem>>, vector<16xf32>,
      %add3A_414 = arith.addf %get3A_411, %get3A_413 : vector<16xf32>
      %swap3A_415 = arith.constant 64 : index
      %swap3A_416 = tpu.vector_load %arg21[%swap3A_415] {strides = array<i32>} : memref<128xf32, #tpu.memory_space<vmem>>, vector<16xf32>,
      tpu.vector_store %arg21[%swap3A_415], %add3A_414 {strides = array<i32>} : memref<128xf32, #tpu.memory_space<vmem>>, vector<16xf32>,
      %get3A_417 = arith.constant 80 : index
      %get3A_418 = tpu.vector_load %arg21[%get3A_417] {strides = array<i32>} : memref<128xf32, #tpu.memory_space<vmem>>, vector<16xf32>,
      %get3A_419 = arith.constant 80 : index
      %get3A_420 = tpu.vector_load %arg17[%get3A_419] {strides = array<i32>} : memref<128xf32, #tpu.memory_space<vmem>>, vector<16xf32>,
      %add3A_421 = arith.addf %get3A_418, %get3A_420 : vector<16xf32>
      %swap3A_422 = arith.constant 80 : index
      %swap3A_423 = tpu.vector_load %arg21[%swap3A_422] {strides = array<i32>} : memref<128xf32, #tpu.memory_space<vmem>>, vector<16xf32>,
      tpu.vector_store %arg21[%swap3A_422], %add3A_421 {strides = array<i32>} : memref<128xf32, #tpu.memory_space<vmem>>, vector<16xf32>,
      %get3A_424 = arith.constant 96 : index
      %get3A_425 = tpu.vector_load %arg21[%get3A_424] {strides = array<i32>} : memref<128xf32, #tpu.memory_space<vmem>>, vector<16xf32>,
      %get3A_426 = arith.constant 96 : index
      %get3A_427 = tpu.vector_load %arg17[%get3A_426] {strides = array<i32>} : memref<128xf32, #tpu.memory_space<vmem>>, vector<16xf32>,
      %add3A_428 = arith.addf %get3A_425, %get3A_427 : vector<16xf32>
      %swap3A_429 = arith.constant 96 : index
      %swap3A_430 = tpu.vector_load %arg21[%swap3A_429] {strides = array<i32>} : memref<128xf32, #tpu.memory_space<vmem>>, vector<16xf32>,
      tpu.vector_store %arg21[%swap3A_429], %add3A_428 {strides = array<i32>} : memref<128xf32, #tpu.memory_space<vmem>>, vector<16xf32>,
      %get3A_431 = arith.constant 112 : index
      %get3A_432 = tpu.vector_load %arg21[%get3A_431] {strides = array<i32>} : memref<128xf32, #tpu.memory_space<vmem>>, vector<16xf32>,
      %get3A_433 = arith.constant 112 : index
      %get3A_434 = tpu.vector_load %arg17[%get3A_433] {strides = array<i32>} : memref<128xf32, #tpu.memory_space<vmem>>, vector<16xf32>,
      %add3A_435 = arith.addf %get3A_432, %get3A_434 : vector<16xf32>
      %swap3A_436 = arith.constant 112 : index
      %swap3A_437 = tpu.vector_load %arg21[%swap3A_436] {strides = array<i32>} : memref<128xf32, #tpu.memory_space<vmem>>, vector<16xf32>,
      tpu.vector_store %arg21[%swap3A_436], %add3A_435 {strides = array<i32>} : memref<128xf32, #tpu.memory_space<vmem>>, vector<16xf32>,
      %dma_wait3A_438 = arith.constant 0 : i32
      %dma_wait3A_439 = arith.constant 0 : i32
      %dma_wait3A_440 = tpu.memref_slice %arg25[%dma_wait3A_438, %dma_wait3A_439] : memref<2048x128xf32, #tpu.memory_space<vmem_shared>> -> memref<2048x128xf32, #tpu.memory_space<vmem_shared>>
      tpu.wait_indirect_dma semaphore(%arg31 : memref<!tpu.dma_semaphore, #tpu.memory_space<semaphore_mem>>) src(%arg16 : memref<128x128xf32, #tpu.memory_space<vmem>>) dst(%dma_wait3A_440 : memref<2048x128xf32, #tpu.memory_space<vmem_shared>>)
      %dma_wait3A_441 = arith.constant 0 : i32
      %dma_wait3A_442 = arith.constant 0 : i32
      %dma_wait3A_443 = tpu.memref_slice %arg25[%dma_wait3A_441, %dma_wait3A_442] : memref<2048x128xf32, #tpu.memory_space<vmem_shared>> -> memref<2048x128xf32, #tpu.memory_space<vmem_shared>>
      tpu.wait_indirect_dma semaphore(%arg31 : memref<!tpu.dma_semaphore, #tpu.memory_space<semaphore_mem>>) src(%arg15 : memref<128x128xf32, #tpu.memory_space<vmem>>) dst(%dma_wait3A_443 : memref<2048x128xf32, #tpu.memory_space<vmem_shared>>)
    }
    %scan3A_165 = arith.constant 24 : i32
    %dma_start3A_166 = arith.constant 49 : i32
    %dma_start3A_167 = arith.constant 0 : i32
    %dma_start3A_168 = tpu.memref_slice %arg11[%dma_start3A_166, %dma_start3A_167] : memref<50x128xi32, #tpu.memory_space<vmem>> -> memref<1x128xi32, #tpu.memory_space<vmem>>
    %dma_start3A_169 = tpu.memref_squeeze %dma_start3A_168 : memref<1x128xi32, #tpu.memory_space<vmem>> -> memref<128xi32, #tpu.memory_space<vmem>>
    %dma_start3A_170 = arith.constant 0 : i32
    %dma_start3A_171 = arith.constant 0 : i32
    %dma_start3A_172 = tpu.memref_slice %arg6[%dma_start3A_170, %dma_start3A_171] : memref<100000x128xf32, #tpu.memory_space<hbm>> -> memref<100000x128xf32, #tpu.memory_space<hbm>>
    tpu.enqueue_indirect_dma source(%dma_start3A_172 : memref<100000x128xf32, #tpu.memory_space<hbm>>) target(%arg16 : memref<128x128xf32, #tpu.memory_space<vmem>>) offsets(%dma_start3A_169 : memref<128xi32, #tpu.memory_space<vmem>>) semaphore(%arg28 : memref<!tpu.dma_semaphore, #tpu.memory_space<semaphore_mem>>)
    %dma_start3A_173 = arith.constant 49 : i32
    %dma_start3A_174 = arith.constant 0 : i32
    %dma_start3A_175 = tpu.memref_slice %arg11[%dma_start3A_173, %dma_start3A_174] : memref<50x128xi32, #tpu.memory_space<vmem>> -> memref<1x128xi32, #tpu.memory_space<vmem>>
    %dma_start3A_176 = tpu.memref_squeeze %dma_start3A_175 : memref<1x128xi32, #tpu.memory_space<vmem>> -> memref<128xi32, #tpu.memory_space<vmem>>
    %dma_start3A_177 = arith.constant 0 : i32
    %dma_start3A_178 = tpu.memref_slice %arg8[%dma_start3A_177] : memref<100000xf32, #tpu.memory_space<hbm>> -> memref<100000xf32, #tpu.memory_space<hbm>>
    tpu.enqueue_indirect_dma source(%dma_start3A_178 : memref<100000xf32, #tpu.memory_space<hbm>>) target(%arg18 : memref<128xf32, #tpu.memory_space<vmem>>) offsets(%dma_start3A_176 : memref<128xi32, #tpu.memory_space<vmem>>) semaphore(%arg30 : memref<!tpu.dma_semaphore, #tpu.memory_space<semaphore_mem>>)
    %dma_wait3A_179 = arith.constant 49 : i32
    %dma_wait3A_180 = arith.constant 0 : i32
    %dma_wait3A_181 = tpu.memref_slice %arg11[%dma_wait3A_179, %dma_wait3A_180] : memref<50x128xi32, #tpu.memory_space<vmem>> -> memref<1x128xi32, #tpu.memory_space<vmem>>
    %dma_wait3A_182 = tpu.memref_squeeze %dma_wait3A_181 : memref<1x128xi32, #tpu.memory_space<vmem>> -> memref<128xi32, #tpu.memory_space<vmem>>
    %dma_wait3A_183 = arith.constant 0 : i32
    %dma_wait3A_184 = arith.constant 0 : i32
    %dma_wait3A_185 = tpu.memref_slice %arg6[%dma_wait3A_183, %dma_wait3A_184] : memref<100000x128xf32, #tpu.memory_space<hbm>> -> memref<100000x128xf32, #tpu.memory_space<hbm>>
    tpu.wait_indirect_dma semaphore(%arg28 : memref<!tpu.dma_semaphore, #tpu.memory_space<semaphore_mem>>) src(%dma_wait3A_185 : memref<100000x128xf32, #tpu.memory_space<hbm>>) dst(%arg16 : memref<128x128xf32, #tpu.memory_space<vmem>>)
    %dma_start3A_186 = arith.constant 0 : i32
    %dma_start3A_187 = arith.constant 0 : i32
    %dma_start3A_188 = tpu.memref_slice %arg25[%dma_start3A_186, %dma_start3A_187] : memref<2048x128xf32, #tpu.memory_space<vmem_shared>> -> memref<2048x128xf32, #tpu.memory_space<vmem_shared>>
    tpu.enqueue_indirect_dma source(%arg16 : memref<128x128xf32, #tpu.memory_space<vmem>>) target(%dma_start3A_188 : memref<2048x128xf32, #tpu.memory_space<vmem_shared>>) offsets(%arg14 : memref<128xi32, #tpu.memory_space<vmem>>) semaphore(%arg31 : memref<!tpu.dma_semaphore, #tpu.memory_space<semaphore_mem>>) {add = true}
    %dma_wait3A_189 = arith.constant 49 : i32
    %dma_wait3A_190 = arith.constant 0 : i32
    %dma_wait3A_191 = tpu.memref_slice %arg11[%dma_wait3A_189, %dma_wait3A_190] : memref<50x128xi32, #tpu.memory_space<vmem>> -> memref<1x128xi32, #tpu.memory_space<vmem>>
    %dma_wait3A_192 = tpu.memref_squeeze %dma_wait3A_191 : memref<1x128xi32, #tpu.memory_space<vmem>> -> memref<128xi32, #tpu.memory_space<vmem>>
    %dma_wait3A_193 = arith.constant 0 : i32
    %dma_wait3A_194 = tpu.memref_slice %arg8[%dma_wait3A_193] : memref<100000xf32, #tpu.memory_space<hbm>> -> memref<100000xf32, #tpu.memory_space<hbm>>
    tpu.wait_indirect_dma semaphore(%arg30 : memref<!tpu.dma_semaphore, #tpu.memory_space<semaphore_mem>>) src(%dma_wait3A_194 : memref<100000xf32, #tpu.memory_space<hbm>>) dst(%arg18 : memref<128xf32, #tpu.memory_space<vmem>>)
    %get3A_195 = arith.constant 0 : index
    %get3A_196 = tpu.vector_load %arg21[%get3A_195] {strides = array<i32>} : memref<128xf32, #tpu.memory_space<vmem>>, vector<16xf32>,
    %get3A_197 = arith.constant 0 : index
    %get3A_198 = tpu.vector_load %arg18[%get3A_197] {strides = array<i32>} : memref<128xf32, #tpu.memory_space<vmem>>, vector<16xf32>,
    %add3A_199 = arith.addf %get3A_196, %get3A_198 : vector<16xf32>
    %swap3A_200 = arith.constant 0 : index
    %swap3A_201 = tpu.vector_load %arg21[%swap3A_200] {strides = array<i32>} : memref<128xf32, #tpu.memory_space<vmem>>, vector<16xf32>,
    tpu.vector_store %arg21[%swap3A_200], %add3A_199 {strides = array<i32>} : memref<128xf32, #tpu.memory_space<vmem>>, vector<16xf32>,
    %get3A_202 = arith.constant 16 : index
    %get3A_203 = tpu.vector_load %arg21[%get3A_202] {strides = array<i32>} : memref<128xf32, #tpu.memory_space<vmem>>, vector<16xf32>,
    %get3A_204 = arith.constant 16 : index
    %get3A_205 = tpu.vector_load %arg18[%get3A_204] {strides = array<i32>} : memref<128xf32, #tpu.memory_space<vmem>>, vector<16xf32>,
    %add3A_206 = arith.addf %get3A_203, %get3A_205 : vector<16xf32>
    %swap3A_207 = arith.constant 16 : index
    %swap3A_208 = tpu.vector_load %arg21[%swap3A_207] {strides = array<i32>} : memref<128xf32, #tpu.memory_space<vmem>>, vector<16xf32>,
    tpu.vector_store %arg21[%swap3A_207], %add3A_206 {strides = array<i32>} : memref<128xf32, #tpu.memory_space<vmem>>, vector<16xf32>,
    %get3A_209 = arith.constant 32 : index
    %get3A_210 = tpu.vector_load %arg21[%get3A_209] {strides = array<i32>} : memref<128xf32, #tpu.memory_space<vmem>>, vector<16xf32>,
    %get3A_211 = arith.constant 32 : index
    %get3A_212 = tpu.vector_load %arg18[%get3A_211] {strides = array<i32>} : memref<128xf32, #tpu.memory_space<vmem>>, vector<16xf32>,
    %add3A_213 = arith.addf %get3A_210, %get3A_212 : vector<16xf32>
    %swap3A_214 = arith.constant 32 : index
    %swap3A_215 = tpu.vector_load %arg21[%swap3A_214] {strides = array<i32>} : memref<128xf32, #tpu.memory_space<vmem>>, vector<16xf32>,
    tpu.vector_store %arg21[%swap3A_214], %add3A_213 {strides = array<i32>} : memref<128xf32, #tpu.memory_space<vmem>>, vector<16xf32>,
    %get3A_216 = arith.constant 48 : index
    %get3A_217 = tpu.vector_load %arg21[%get3A_216] {strides = array<i32>} : memref<128xf32, #tpu.memory_space<vmem>>, vector<16xf32>,
    %get3A_218 = arith.constant 48 : index
    %get3A_219 = tpu.vector_load %arg18[%get3A_218] {strides = array<i32>} : memref<128xf32, #tpu.memory_space<vmem>>, vector<16xf32>,
    %add3A_220 = arith.addf %get3A_217, %get3A_219 : vector<16xf32>
    %swap3A_221 = arith.constant 48 : index
    %swap3A_222 = tpu.vector_load %arg21[%swap3A_221] {strides = array<i32>} : memref<128xf32, #tpu.memory_space<vmem>>, vector<16xf32>,
    tpu.vector_store %arg21[%swap3A_221], %add3A_220 {strides = array<i32>} : memref<128xf32, #tpu.memory_space<vmem>>, vector<16xf32>,
    %get3A_223 = arith.constant 64 : index
    %get3A_224 = tpu.vector_load %arg21[%get3A_223] {strides = array<i32>} : memref<128xf32, #tpu.memory_space<vmem>>, vector<16xf32>,
    %get3A_225 = arith.constant 64 : index
    %get3A_226 = tpu.vector_load %arg18[%get3A_225] {strides = array<i32>} : memref<128xf32, #tpu.memory_space<vmem>>, vector<16xf32>,
    %add3A_227 = arith.addf %get3A_224, %get3A_226 : vector<16xf32>
    %swap3A_228 = arith.constant 64 : index
    %swap3A_229 = tpu.vector_load %arg21[%swap3A_228] {strides = array<i32>} : memref<128xf32, #tpu.memory_space<vmem>>, vector<16xf32>,
    tpu.vector_store %arg21[%swap3A_228], %add3A_227 {strides = array<i32>} : memref<128xf32, #tpu.memory_space<vmem>>, vector<16xf32>,
    %get3A_230 = arith.constant 80 : index
    %get3A_231 = tpu.vector_load %arg21[%get3A_230] {strides = array<i32>} : memref<128xf32, #tpu.memory_space<vmem>>, vector<16xf32>,
    %get3A_232 = arith.constant 80 : index
    %get3A_233 = tpu.vector_load %arg18[%get3A_232] {strides = array<i32>} : memref<128xf32, #tpu.memory_space<vmem>>, vector<16xf32>,
    %add3A_234 = arith.addf %get3A_231, %get3A_233 : vector<16xf32>
    %swap3A_235 = arith.constant 80 : index
    %swap3A_236 = tpu.vector_load %arg21[%swap3A_235] {strides = array<i32>} : memref<128xf32, #tpu.memory_space<vmem>>, vector<16xf32>,
    tpu.vector_store %arg21[%swap3A_235], %add3A_234 {strides = array<i32>} : memref<128xf32, #tpu.memory_space<vmem>>, vector<16xf32>,
    %get3A_237 = arith.constant 96 : index
    %get3A_238 = tpu.vector_load %arg21[%get3A_237] {strides = array<i32>} : memref<128xf32, #tpu.memory_space<vmem>>, vector<16xf32>,
    %get3A_239 = arith.constant 96 : index
    %get3A_240 = tpu.vector_load %arg18[%get3A_239] {strides = array<i32>} : memref<128xf32, #tpu.memory_space<vmem>>, vector<16xf32>,
    %add3A_241 = arith.addf %get3A_238, %get3A_240 : vector<16xf32>
    %swap3A_242 = arith.constant 96 : index
    %swap3A_243 = tpu.vector_load %arg21[%swap3A_242] {strides = array<i32>} : memref<128xf32, #tpu.memory_space<vmem>>, vector<16xf32>,
    tpu.vector_store %arg21[%swap3A_242], %add3A_241 {strides = array<i32>} : memref<128xf32, #tpu.memory_space<vmem>>, vector<16xf32>,
    %get3A_244 = arith.constant 112 : index
    %get3A_245 = tpu.vector_load %arg21[%get3A_244] {strides = array<i32>} : memref<128xf32, #tpu.memory_space<vmem>>, vector<16xf32>,
    %get3A_246 = arith.constant 112 : index
    %get3A_247 = tpu.vector_load %arg18[%get3A_246] {strides = array<i32>} : memref<128xf32, #tpu.memory_space<vmem>>, vector<16xf32>,
    %add3A_248 = arith.addf %get3A_245, %get3A_247 : vector<16xf32>
    %swap3A_249 = arith.constant 112 : index
    %swap3A_250 = tpu.vector_load %arg21[%swap3A_249] {strides = array<i32>} : memref<128xf32, #tpu.memory_space<vmem>>, vector<16xf32>,
    tpu.vector_store %arg21[%swap3A_249], %add3A_248 {strides = array<i32>} : memref<128xf32, #tpu.memory_space<vmem>>, vector<16xf32>,
    %dma_wait3A_251 = arith.constant 0 : i32
    %dma_wait3A_252 = arith.constant 0 : i32
    %dma_wait3A_253 = tpu.memref_slice %arg25[%dma_wait3A_251, %dma_wait3A_252] : memref<2048x128xf32, #tpu.memory_space<vmem_shared>> -> memref<2048x128xf32, #tpu.memory_space<vmem_shared>>
    tpu.wait_indirect_dma semaphore(%arg31 : memref<!tpu.dma_semaphore, #tpu.memory_space<semaphore_mem>>) src(%arg16 : memref<128x128xf32, #tpu.memory_space<vmem>>) dst(%dma_wait3A_253 : memref<2048x128xf32, #tpu.memory_space<vmem_shared>>)
    "tpu.region"() ({
      %run_scoped3A = tpu.sem_alloc : memref<!tpu.dma_semaphore, #tpu.memory_space<semaphore_mem>>
      %dma_start3A_267 = arith.constant 0 : i32
      %dma_start3A_268 = tpu.memref_slice %arg25[%mul3A_4, %dma_start3A_267] : memref<2048x128xf32, #tpu.memory_space<vmem_shared>> -> memref<128x128xf32, #tpu.memory_space<vmem_shared>>
      %dma_start3A_269 = arith.constant 0 : i32
      %dma_start3A_270 = tpu.memref_slice %arg25[%mul3A_4, %dma_start3A_269] : memref<2048x128xf32, #tpu.memory_space<vmem_shared>> -> memref<128x128xf32, #tpu.memory_space<vmem_shared>>
      tpu.enqueue_dma source(%dma_start3A_270 : memref<128x128xf32, #tpu.memory_space<vmem_shared>>) target(%arg19 : memref<128x128xf32, #tpu.memory_space<vmem>>) target_semaphore(%run_scoped3A : memref<!tpu.dma_semaphore, #tpu.memory_space<semaphore_mem>>)
      %dma_wait3A_271 = arith.constant 0 : i32
      %dma_wait3A_272 = tpu.memref_slice %arg25[%mul3A_4, %dma_wait3A_271] : memref<2048x128xf32, #tpu.memory_space<vmem_shared>> -> memref<128x128xf32, #tpu.memory_space<vmem_shared>>
      %dma_wait3A_273 = arith.constant 0 : i32
      %dma_wait3A_274 = tpu.memref_slice %arg25[%mul3A_4, %dma_wait3A_273] : memref<2048x128xf32, #tpu.memory_space<vmem_shared>> -> memref<128x128xf32, #tpu.memory_space<vmem_shared>>
      tpu.wait_dma2 semaphore(%run_scoped3A : memref<!tpu.dma_semaphore, #tpu.memory_space<semaphore_mem>>) src(%dma_wait3A_274 : memref<128x128xf32, #tpu.memory_space<vmem_shared>>) dst(%arg19 : memref<128x128xf32, #tpu.memory_space<vmem>>)
      tpu.yield
    }) : () -> ()
    %dma_wait3A_254 = arith.constant 0 : i32
    %dma_wait3A_255 = arith.constant 0 : i32
    %dma_wait3A_256 = tpu.memref_slice %arg5[%dma_wait3A_254, %dma_wait3A_255] : memref<100000x128xf32, #tpu.memory_space<hbm>> -> memref<100000x128xf32, #tpu.memory_space<hbm>>
    tpu.wait_indirect_dma semaphore(%arg26 : memref<!tpu.dma_semaphore, #tpu.memory_space<semaphore_mem>>) src(%dma_wait3A_256 : memref<100000x128xf32, #tpu.memory_space<hbm>>) dst(%arg20 : memref<128x128xf32, #tpu.memory_space<vmem>>)
    %dma_wait3A_257 = arith.constant 0 : i32
    %dma_wait3A_258 = tpu.memref_slice %arg7[%dma_wait3A_257] : memref<100000xf32, #tpu.memory_space<hbm>> -> memref<100000xf32, #tpu.memory_space<hbm>>
    tpu.wait_indirect_dma semaphore(%arg26 : memref<!tpu.dma_semaphore, #tpu.memory_space<semaphore_mem>>) src(%dma_wait3A_258 : memref<100000xf32, #tpu.memory_space<hbm>>) dst(%arg22 : memref<128xf32, #tpu.memory_space<vmem>>)
    %dma_wait3A_259 = arith.constant 0 : i32
    %dma_wait3A_260 = tpu.memref_slice %arg9[%dma_wait3A_259] : memref<100000xf32, #tpu.memory_space<hbm>> -> memref<100000xf32, #tpu.memory_space<hbm>>
    tpu.wait_indirect_dma semaphore(%arg26 : memref<!tpu.dma_semaphore, #tpu.memory_space<semaphore_mem>>) src(%dma_wait3A_260 : memref<100000xf32, #tpu.memory_space<hbm>>) dst(%arg23 : memref<128xf32, #tpu.memory_space<vmem>>)
    %scan3A_261 = arith.constant 0 : i32
    %scan3A_262 = arith.constant 0 : i32
    %scan3A_263 = arith.constant 8 : i32
    %scan3A_264 = arith.addi %scan3A_262, %scan3A_263 : i32
    %scan3A_265 = arith.constant 1 : i32
    scf.for %scan3A_267 = %scan3A_262 to %scan3A_264 step %scan3A_265  : i32 {
      %mul3A_268 = arith.constant 16 : i32
      %mul3A_269 = arith.muli %scan3A_267, %mul3A_268 : i32
      %add3A_270 = vector.broadcast %mul3A_269 : i32 to vector<16xi32>
      %add3A_271 = arith.addi %iota3A, %add3A_270 : vector<16xi32>
      %broadcast_in_dim3A_272 = arith.constant 0.000000e+00 : f32
      %broadcast_in_dim3A_273 = vector.broadcast %broadcast_in_dim3A_272 : f32 to vector<16xf32>
      %scan3A_274 = arith.constant 0 : i32
      %scan3A_275 = arith.constant 128 : i32
      %scan3A_276 = arith.addi %scan3A_274, %scan3A_275 : i32
      %scan3A_277 = arith.constant 1 : i32
      %scan3A_278 = scf.for %scan3A_299 = %scan3A_274 to %scan3A_276 step %scan3A_277 iter_args(%scan3A_300 = %broadcast_in_dim3A_273) -> (vector<16xf32>)  : i32 {
        %broadcast_in_dim3A_301 = arith.constant 0 : i32
        %broadcast_in_dim3A_302 = vector.broadcast %broadcast_in_dim3A_301 : i32 to vector<16xi32>
        %add3A_303 = vector.broadcast %scan3A_299 : i32 to vector<16xi32>
        %add3A_304 = arith.addi %broadcast_in_dim3A_302, %add3A_303 : vector<16xi32>
        %gather3A = tpu.vector_load_idx %arg19[%add3A_271, %add3A_304] : memref<128x128xf32, #tpu.memory_space<vmem>>[vector<16xi32>, vector<16xi32>], vector<16xf32>,
        %gather3A_305 = tpu.vector_load_idx %arg20[%add3A_271, %add3A_304] : memref<128x128xf32, #tpu.memory_space<vmem>>[vector<16xi32>, vector<16xi32>], vector<16xf32>,
        %mul3A_306 = arith.mulf %gather3A, %gather3A_305 : vector<16xf32>
        %add3A_307 = arith.addf %scan3A_300, %mul3A_306 : vector<16xf32>
        scf.yield %add3A_307 : vector<16xf32>
      }
      %scan3A_279 = arith.constant 128 : i32
      %mul3A_280 = arith.constant 16 : i32
      %mul3A_281 = arith.muli %scan3A_267, %mul3A_280 : i32
      %get3A_282 = arith.index_cast %mul3A_281 : i32 to index
      %get3A_283 = tpu.vector_load %arg22[%get3A_282] {strides = array<i32>} : memref<128xf32, #tpu.memory_space<vmem>>, vector<16xf32>,
      %get3A_284 = arith.index_cast %mul3A_281 : i32 to index
      %get3A_285 = tpu.vector_load %arg21[%get3A_284] {strides = array<i32>} : memref<128xf32, #tpu.memory_space<vmem>>, vector<16xf32>,
      %mul3A_286 = arith.constant 2.000000e-02 : f32
      %mul3A_287 = vector.broadcast %mul3A_286 : f32 to vector<16xf32>
      %mul3A_288 = arith.mulf %get3A_285, %mul3A_287 : vector<16xf32>
      %add3A_289 = arith.addf %get3A_283, %mul3A_288 : vector<16xf32>
      %mul3A_290 = arith.constant 2.000000e-02 : f32
      %mul3A_291 = vector.broadcast %mul3A_290 : f32 to vector<16xf32>
      %mul3A_292 = arith.mulf %scan3A_278, %mul3A_291 : vector<16xf32>
      %add3A_293 = arith.addf %add3A_289, %mul3A_292 : vector<16xf32>
      %get3A_294 = arith.index_cast %mul3A_281 : i32 to index
      %get3A_295 = tpu.vector_load %arg23[%get3A_294] {strides = array<i32>} : memref<128xf32, #tpu.memory_space<vmem>>, vector<16xf32>,
      %add3A_296 = arith.addf %add3A_293, %get3A_295 : vector<16xf32>
      %swap3A_297 = arith.index_cast %mul3A_281 : i32 to index
      %swap3A_298 = tpu.vector_load %arg24[%swap3A_297] {strides = array<i32>} : memref<128xf32, #tpu.memory_space<vmem>>, vector<16xf32>,
      tpu.vector_store %arg24[%swap3A_297], %add3A_296 {strides = array<i32>} : memref<128xf32, #tpu.memory_space<vmem>>, vector<16xf32>,
    }
    %scan3A_266 = arith.constant 8 : i32
    "tpu.region"() ({
      %run_scoped3A = tpu.sem_alloc : memref<!tpu.dma_semaphore, #tpu.memory_space<semaphore_mem>>
      %dma_start3A_267 = tpu.memref_slice %arg10[%mul3A_2] : memref<4096xf32, #tpu.memory_space<hbm>> -> memref<128xf32, #tpu.memory_space<hbm>>
      %dma_start3A_268 = tpu.memref_slice %arg10[%mul3A_2] : memref<4096xf32, #tpu.memory_space<hbm>> -> memref<128xf32, #tpu.memory_space<hbm>>
      tpu.enqueue_dma source(%arg24 : memref<128xf32, #tpu.memory_space<vmem>>) target(%dma_start3A_268 : memref<128xf32, #tpu.memory_space<hbm>>) target_semaphore(%run_scoped3A : memref<!tpu.dma_semaphore, #tpu.memory_space<semaphore_mem>>)
      %dma_wait3A_269 = tpu.memref_slice %arg10[%mul3A_2] : memref<4096xf32, #tpu.memory_space<hbm>> -> memref<128xf32, #tpu.memory_space<hbm>>
      %dma_wait3A_270 = tpu.memref_slice %arg10[%mul3A_2] : memref<4096xf32, #tpu.memory_space<hbm>> -> memref<128xf32, #tpu.memory_space<hbm>>
      tpu.wait_dma2 semaphore(%run_scoped3A : memref<!tpu.dma_semaphore, #tpu.memory_space<semaphore_mem>>) src(%arg24 : memref<128xf32, #tpu.memory_space<vmem>>) dst(%dma_wait3A_270 : memref<128xf32, #tpu.memory_space<hbm>>)
      tpu.yield
    }) : () -> ()
    return
  }
}

</mosaic_0001>

<sc_bundles>
// kernel: kernel.3.cloned.1.call-start
scs
__scs_entry_jumppad:
0x0: {  	(pc) =	sbr.rel $0x88, $3  }
0x1: {  	(tag) =	ssettag $0x0;
	lr =	simm.s32 $0x1  }
0x2: {  	[smem:$0x3F99] =	sst lr;
	_ =	strace $0xD0000000  }
0x3: {  	_ = 	snop  }
0x4: {  	_ = 	snop  }
0x5: {  	_ = 	snop  }
0x6: {  	_ = 	snop  }
0x7: {  	_ = 	snop  }
__scs_overlays_trampoline_lowered:
0x8: {  	[smem:$0x3FA8] =	sst s0  }
0x9: {  	[smem:$0x3FA9] =	sst s1  }
0xa: {  	[smem:$0x3FAA] =	sst s2  }
0xb: {  	[smem:$0x3FAB] =	sst s3  }
0xc: {  	[smem:$0x3FAC] =	sst s4  }
0xd: {  	[smem:$0x3FAD] =	sst s5  }
0xe: {  	[smem:$0x3FAE] =	sst s6  }
0xf: {  	[smem:$0x3FAF] =	sst s7  }
0x10: {  	[smem:$0x3FB0] =	sst s8  }
0x11: {  	[smem:$0x3FB1] =	sst s9;
	s0 =	simm.s32 @!p0 $0x0  }
0x12: {  	s1 =	sld [smem:$0x3F97];
	s0 =	simm.s32 @p0 $0x1  }
0x13: {  	[smem:$0x3FB2] =	sst s0;
	s0 =	simm.s32 @!p1 $0x0  }
0x14: {  	s2 =	sld [smem:$0x3F96];
	s0 =	simm.s32 @p1 $0x1  }
0x15: {  	[smem:$0x3FB3] =	sst s0;
	s0 =	simm.s32 @!p2 $0x0  }
0x16: {  	s3 =	sld [smem:$0x3FDB];
	s0 =	simm.s32 @p2 $0x1  }
0x17: {  	s4 =	simm.s32 $0x1BF5;
	[smem:$0x3FB5] =	sst s0  }
0x18: {  	s0 =	sld [smem:$0x3F98];
	_ =	swait.ge [sflag:s4], $0x0  }
0x19: {  	s7 =	sld [smem:$0x3F99]  }
0x1a: {  	s8 =	sadd.s32 $0xFFFFE003, lr  }
0x1b: {  	s9 =	sadd.s32 $0xFFFFFEF7, lr;
	s5 =	simm.s32 $0xFFFFFFFF;
	p2 =	slt.u32 s8, $0xFFFFF086  }
0x1c: {  	p1 =	slt.u32 s9, $0xF7A;
	s5 =	simm.s32 @!p2 $0x0  }
0x1d: {  	s5 =	simm.s32 @p1 $0x1;
	p0 =	seq.s32 s7, s2  }
0x1e: {  	s7 =	smul.u32 @!p0 $0xF7A, s2;
	p2 =	seq.s32 @!p0 s5, $0x0  }
0x1f: {  	s9 =	smul.u32 $0xF7A, s1;
	s8 =	simm.s32 @!p0 $0x1BF5;
	p2 =	por !p2, p0  }
0x20: {  	[sflag:s8] =	ssyncset.s32 @!p0 $0xFFFFF086;
	s6 =	sadd.s32 @!p0 s3, s7;
	s7 =	simm.s32 @!p0 $0x108  }
0x21: {  	s3 =	sadd.s32 s3, s9;
	s6 =	sadd.s32 @!p0 $0x88, s6;
	s7 =	simm.s32 @p2 $0x1082  }
0x22: {  	[simem:s7], [sflag:s8] =	dma.local @!p0 [hbm:s6], $0xF7A  }
0x23: {  	s9 =	sor.u32 $0xD0000000, s2;
	s6 =	simm.s32 $0x108;
	_ =	swait.ge @!p0 [sflag:s8], $0x0  }
0x24: {  	s3 =	sadd.s32 $0x88, s3;
	s6 =	simm.s32 @!p1 $0x1082;
	[sflag:s4] =	ssyncset.s32 $0xFFFFF086  }
0x25: {  	[simem:s6], [sflag:s4] =	dma.local [hbm:s3], $0xF7A  }
0x26: {  	[smem:$0x3F99] =	sst s1;
	(tag) =	ssettag s2;
	_ =	strace s9  }
0x27: {  	s1 =	sld [smem:$0x3FA9]  }
0x28: {  	s2 =	sld [smem:$0x3FAA]  }
0x29: {  	s4 =	sld [smem:$0x3FAC]  }
0x2a: {  	p0 =	seq.s32 s5, $0x0;
	s5 =	sld [smem:$0x3FAD]  }
0x2b: {  	s6 =	sld [smem:$0x3FAE]  }
0x2c: {  	s7 =	sld [smem:$0x3FAF]  }
0x2d: {  	s3 =	simm.s32 $0x108;
	s8 =	sld [smem:$0x3FB0]  }
0x2e: {  	s3 =	simm.s32 @!p0 $0x1082;
	s9 =	sld [smem:$0x3FB1]  }
0x2f: {  	lr =	sadd.s32 s0, s3;
	s0 =	sld [smem:$0x3FA8]  }
0x30: {  	s3 =	sld [smem:$0x3FAB]  }
0x31: {  	[smem:$0x3FB4] =	sst s10  }
0x32: {  	s10 =	sld [smem:$0x3FB2];
	_ =	sdelay $0x3  }
0x33: {  	p0 =	seq.s32 s10, $0x1;
	s10 =	sld [smem:$0x3FB4];
	_ =	sdelay $0x3  }
0x34: {  	[smem:$0x3FB4] =	sst s10  }
0x35: {  	s10 =	sld [smem:$0x3FB3];
	_ =	sdelay $0x3  }
0x36: {  	p1 =	seq.s32 s10, $0x1;
	s10 =	sld [smem:$0x3FB4];
	_ =	sdelay $0x3  }
0x37: {  	[smem:$0x3FB4] =	sst s10  }
0x38: {  	s10 =	sld [smem:$0x3FB5]  }
0x39: {  	_ = 	snop;
	(pc) =	sbr.ind lr, $3  }
0x3a: {  	_ = 	snop  }
0x3b: {  	_ = 	snop  }
0x3c: {  	p2 =	seq.s32 s10, $0x1;
	s10 =	sld [smem:$0x3FB4]  }
0x3d: {  	_ =	shalt  }
0x3e: {  	_ =	shalt  }
0x3f: {  	_ =	shalt  }
0x40: {  	_ =	shalt  }
0x41: {  	_ =	shalt  }
0x42: {  	_ =	shalt  }
0x43: {  	_ =	shalt  }
0x44: {  	_ =	shalt  }
0x45: {  	_ =	shalt  }
0x46: {  	_ =	shalt  }
0x47: {  	_ =	shalt  }
0x48: {  	_ =	shalt  }
0x49: {  	_ =	shalt  }
0x4a: {  	_ =	shalt  }
0x4b: {  	_ =	shalt  }
0x4c: {  	_ =	shalt  }
0x4d: {  	_ =	shalt  }
0x4e: {  	_ =	shalt  }
0x4f: {  	_ =	shalt  }
0x50: {  	_ =	shalt  }
0x51: {  	_ =	shalt  }
0x52: {  	_ =	shalt  }
0x53: {  	_ =	shalt  }
0x54: {  	_ =	shalt  }
0x55: {  	_ =	shalt  }
0x56: {  	_ =	shalt  }
0x57: {  	_ =	shalt  }
0x58: {  	_ =	shalt  }
0x59: {  	_ =	shalt  }
0x5a: {  	_ =	shalt  }
0x5b: {  	_ =	shalt  }
0x5c: {  	_ =	shalt  }
0x5d: {  	_ =	shalt  }
0x5e: {  	_ =	shalt  }
0x5f: {  	_ =	shalt  }
0x60: {  	_ =	shalt  }
0x61: {  	_ =	shalt  }
0x62: {  	_ =	shalt  }
0x63: {  	_ =	shalt  }
0x64: {  	_ =	shalt  }
0x65: {  	_ =	shalt  }
0x66: {  	_ =	shalt  }
0x67: {  	_ =	shalt  }
0x68: {  	_ =	shalt  }
0x69: {  	_ =	shalt  }
0x6a: {  	_ =	shalt  }
0x6b: {  	_ =	shalt  }
0x6c: {  	_ =	shalt  }
0x6d: {  	_ =	shalt  }
0x6e: {  	_ =	shalt  }
0x6f: {  	_ =	shalt  }
0x70: {  	_ =	shalt  }
0x71: {  	_ =	shalt  }
0x72: {  	_ =	shalt  }
0x73: {  	_ =	shalt  }
0x74: {  	_ =	shalt  }
0x75: {  	_ =	shalt  }
0x76: {  	_ =	shalt  }
0x77: {  	_ =	shalt  }
0x78: {  	_ =	shalt  }
0x79: {  	_ =	shalt  }
0x7a: {  	_ =	shalt  }
0x7b: {  	_ =	shalt  }
0x7c: {  	_ =	shalt  }
0x7d: {  	_ =	shalt  }
0x7e: {  	_ =	shalt  }
0x7f: {  	_ =	shalt  }
0x80: {  	_ =	shalt  }
0x81: {  	_ =	shalt  }
0x82: {  	_ =	shalt  }
0x83: {  	_ =	shalt  }
0x84: {  	_ =	shalt  }
0x85: {  	_ =	shalt  }
0x86: {  	_ =	shalt  }
0x87: {  	_ =	shalt  }
.Lfunc_end0:
.L_simem_size_0:
called_computation_lowered:
.L_overlay_start_0:
0x88: {  	s2 =	sld [smem:$0x3FD9]  }
0x89: {  	s3 =	sld [smem:$0x3FFE];
	_ =	sdelay $0x1  }
0x8a: {  	s1 =	srdreg.scid  }
0x8b: {  	s0 =	sand.u32 $0x1, s1  }
0x8c: {  	s17 =	sshll.u32 s0, $0xA;
	s2 =	sadd.s32 s3, s2  }
0x8d: {  	s2 =	sadd.s32 s2, s17  }
0x8e: {  	[smem:$0x3FC0] =	sst s2  }
0x8f: {  	_ = 	snop  }
0x90: {  	s2 =	sld [smem:$0x3FC9]  }
0x91: {  	s18 =	sld [smem:$0x3FC8]  }
0x92: {  	s4 =	sld [smem:$0x3FC7]  }
0x93: {  	s5 =	sld [smem:$0x3FC6]  }
0x94: {  	s6 =	sld [smem:$0x3FC5]  }
0x95: {  	s7 =	sld [smem:$0x3FD0];
	(tm) =	ssettm $0x1  }
0x96: {  	s8 =	sld [smem:$0x3FFB];
	_ =	sdelay $0x3  }
0x97: {  	_ =	strace s8  }
0x98: {  	s8 =	sld [smem:$0x3FFC];
	_ =	sdelay $0x3  }
0x99: {  	_ =	strace s8  }
0x9a: {  	s8 =	sld [smem:$0x3FFD];
	_ =	sdelay $0x3  }
0x9b: {  	_ =	strace s8  }
0x9c: {  	_ =	strace $0x8FFFFFFF  }
0x9d: {  	s19 =	sld [smem:$0x3FDB];
	_ =	sdelay $0x1  }
0x9e: {  	s9 =	simm.s32 $_scs_section_size  }
0x9f: {  	s10 =	simm.s32 $_size__tile_overlayer_lowered;
	s11 =	simm.s32 $_tile_overlayer_lowered  }
0xa0: {  	s22 =	simm.s32 $0x1BFF;
	s21 =	sshll.u32 s11, $0x1;
	s8 =	sadd.s32 s9, s19  }
0xa1: {  	s12 =	simm.s32 $0x0;
	s20 =	sshll.u32 s10, $0x1;
	s10 =	sadd.s32 s21, s8  }
0xa2: {  	[timem:s12], [sflag:s22] =	dma.local [hbm:s10], s20  }
0xa3: {  	_ =	swait.ge [sflag:s22], s20  }
0xa4: {  	s9 =	ssub.s32 $0x0, s20;
	[sflag:s22] =	ssyncset.done $0x0  }
0xa5: {  	[sflag:s22] =	ssyncadd.s32 s9;
	_ =	sdelay $0x1  }
0xa6: {  	s23 =	simm.s32 $0x1B8B  }
0xa7: {  	_ =	swait.ge [sflag:s23], $0x1  }
0xa8: {  	[sflag:s23] =	ssyncset.done $0x0  }
0xa9: {  	s25 =	simm.s32 $0x1B8E;
	s24 =	sld [smem:$0x3FFE];
	[sflag:s23] =	ssyncadd.s32 $0xFFFFFFFF  }
0xaa: {  	s26 =	simm.s32 $execute0_lowered;
	[smem:$0x3FD2] =	sst s25  }
0xab: {  	s10 =	sshll.u32 s26, $0x1;
	_ =	strace $0x80000046;
	[dreg:$0x1] =	wrdreg $0xFFFFFFFF  }
0xac: {  	s28 =	simm.s32 $_size_execute0_lowered;
	s8 =	sadd.s32 s8, s10;
	[dreg:$0x0] =	wrdreg $0x0  }
0xad: {  	s10 =	sshll.u32 s28, $0x1;
	[dreg:$0x2] =	wrdreg s8  }
0xae: {  	[dreg:$0x3] =	wrdreg s10  }
0xaf: {  	[dreg:$0x4] =	wrdreg $0xC0  }
0xb0: {  	_ =	task [dreg:s12], $0x5FFFF  }
0xb1: {  	[dreg:$0x1] =	wrdreg $0xFFFFFFFF  }
0xb2: {  	[dreg:$0x0] =	wrdreg $0x60  }
0xb3: {  	[dreg:$0x2] =	wrdreg s2  }
0xb4: {  	[dreg:$0x3] =	wrdreg s18  }
0xb5: {  	[dreg:$0x4] =	wrdreg s4  }
0xb6: {  	[dreg:$0x5] =	wrdreg s5  }
0xb7: {  	[dreg:$0x6] =	wrdreg s6  }
0xb8: {  	[dreg:$0x7] =	wrdreg s24  }
0xb9: {  	[dreg:$0x8] =	wrdreg s7  }
0xba: {  	[dreg:$0x9] =	wrdreg $0x120800  }
0xbb: {  	[dreg:$0xa] =	wrdreg $0x9  }
0xbc: {  	_ =	task.clear_ibuf [dreg:s12], $0xBFFFF;
	_ =	strace $0x90000046  }
0xbd: {  	s29 =	simm.s32 $0x9;
	_ =	strace $0x80000048  }
0xbe: {  	_ =	swait.ge [sflag:s29], $0x1  }
0xbf: {  	[sflag:s29] =	ssyncadd.s32 $0xFFFFFFFF  }
0xc0: {  	_ =	strace $0x90000048  }
0xc1: {  	_ =	sfence  }
0xc2: {  	s30 =	sld [smem:$0x0];
	_ =	sdelay $0x2  }
0xc3: {  	s31 =	sshll.u32 s1, $0xD;
	s1 =	sshrl.u32 s1, $0x2  }
0xc4: {  	s3 =	sand.u32 $0x4000, s31;
	s1 =	sadd.s32 s1, s30  }
0xc5: {  	s0 =	sor.u32 s3, s0;
	s1 =	sshll.u32 s1, $0x11  }
0xc6: {  	s0 =	sor.u32 s1, s0  }
0xc7: {  	s0 =	sadd.s32 $0x8F2B, s0  }
0xc8: {  	[sflag:s0] =	ssyncadd.remote.s32 $0x1  }
0xc9: {  	_ =	sfence.sel $0xFFFF  }
0xca: {  	[dreg:$0x0] =	wrdreg $0xFFFFFFFF;
	(pc) =	sbr.abs _section_cstart, $3  }
0xcb: {  	[dreg:$0x1] =	wrdreg $0xFFFFFFFF  }
0xcc: {  	_ =	task.clear_ibuf [dreg:s12], $0x2FFFF;
	_ =	strace $0x9FFFFFFF  }
0xcd: {  	(tm) =	ssettm $0x7FFFFFFF  }
tec
execute0_lowered:
.L_overlay_start_1:
0x0: {  	(tag) =	ssettag $0x1  }
0x1: {  	s0 =	rddreg [dreg:$0x0]  }
0x2: {  	s1 =	rddreg [dreg:$0x1]  }
0x3: {  	s3 =	rddreg [dreg:$0x2]  }
0x4: {  	s2 =	rddreg [dreg:$0x4]  }
0x5: {  	s12 =	rddreg [dreg:$0x5]  }
0x6: {  	s5 =	rddreg [dreg:$0x6]  }
0x7: {  	s4 =	rddreg [dreg:$0x7]  }
0x8: {  	s6 =	simm.s32 $0x0;
	s7 =	srdreg.scid;
	s13 =	stileid.u32  }
0x9: {  	s19 =	simm.s32 $0x7;
	s28 =	simm.s32 $0x9D80;
	s29 =	simm.s32 $0x2  }
0xa: {  	s30 =	simm.s32 $0x1D00;
	s31 =	simm.s32 $0x4;
	[smem:$0x7FF] =	sst s6  }
0xb: {  	s8 =	sand.u32 $0x1, s7;
	s10 =	sshll.u32 s13, $0x1;
	s7 =	sadd.s32 $0x3200, s12  }
0xc: {  	s20 =	sadd.s32 $0x6400, s12;
	_ =	strace $0x80000047;
	s9 =	ssub.s32 $0x2, s8  }
0xd: {  	s8 =	sor.u32 s8, s10;
	[dreg:$0x9] =	wrdreg s20;
	s20 =	simm.s32 $0x1C00  }
0xe: {  	s11 =	sshrl.u32 s9, $0x1;
	s22 =	sshll.u32 s8, $0x7;
	s23 =	sshll.u32 s8, $0x4  }
0xf: {  	s21 =	ssub.s32 s9, s11;
	s11 =	sshll.u32 s13, $0x7;
	s9 =	sadd.s32 s3, s22  }
0x10: {  	s0 =	sadd.s32 s0, s23;
	s1 =	sadd.s32 s1, s23;
	s14 =	sadd.s32 s5, s23  }
0x11: {  	s22 =	simm.s32 $0x80;
	s23 =	simm.s32 $0xDE80;
	s5 =	simm.s32 $0x5D80  }
0x12: {  	s3 =	simm.s32 $0x3;
	s26 =	sadd.s32 $0x6000, s9;
	[dreg:$0xb] =	wrdreg s0  }
0x13: {  	[dreg:$0xc] =	wrdreg s1;
	s8 =	sor.u32 $0x10, s11;
	s12 =	sor.u32 $0x20, s11  }
0x14: {  	s25 =	sor.u32 $0x30, s11;
	s16 =	sor.u32 $0x40, s11;
	s17 =	sor.u32 $0x50, s11  }
0x15: {  	s18 =	sor.u32 $0x60, s11;
	s24 =	sor.u32 $0x70, s11;
	s15 =	smax.u32 s21, $0x1  }
0x16: {  	v9 =	vlaneseq.u32;
	v8 =	vimm.f32 $0.0e+00;
	s21 =	simm.s32 $0x1C80;
	s0 =	simm.s32 $0x6;
	s1 =	simm.s32 $0x9E00  }
0x17: {  	v0 =	vor.u32 s11, v9;
	[dreg:$0xa] =	wrdreg s26;
	s26 =	sshll.u32 s13, $0xE;
	v1 =	vor.u32 s8, v9;
	v4 =	vor.u32 s16, v9;
	s16 =	simm.s32 $0x5  }
0x18: {  	v5 =	vor.u32 s17, v9;
	v6 =	vor.u32 s18, v9;
	s17 =	simm.s32 $0x1880;
	s18 =	simm.s32 $0x9E80;
	v7 =	vor.u32 s24, v9;
	s24 =	simm.s32 $0x1  }
0x19: {  	v2 =	vor.u32 s12, v9;
	v3 =	vor.u32 s25, v9;
	v9 =	vmul.u32 $0x80, v9;
	s25 =	simm.s32 $0x0;
	s13 =	sadd.s32 s26, s4;
	s26 =	simm.s32 $0x1D80  }
.LBB2_1:
0x1a: {  	s8 =	simm.s32 $0x400;
	s10 =	simm.s32 $0x8000  }
0x1b: {  	[tilespmem:s6], [sflag:$0x7] =	stream.strided.gather [hbm4b:s9+s8], $0x1800, s10, s8, $0x38;
	[tilespmem:$0x16080] =	vst v63  }
0x1c: {  	s11 =	rddreg [dreg:$0xa];
	s12 =	simm.s32 $0x1800  }
0x1d: {  	[tilespmem:s12], [sflag:$0x7] =	stream.linear.gather [hbm4b:s11+s6], $0x100, $0x38;
	[tilespmem:$0x16080] =	vst v63  }
0x1e: {  	_ =	swait.ge [sflag:s19], $0x1900  }
0x1f: {  	[sflag:s19] =	ssyncset.done $0x0  }
0x20: {  	s11 =	rddreg [dreg:$0xb];
	[sflag:s19] =	ssyncadd.s32 $0xFFFFE700  }
0x21: {  	[tilespmem:s20], [sflag:$0x7] =	stream.linear.gather [hbm4b:s11+s6], $0x80, $0x38;
	[tilespmem:$0x16080] =	vst v63  }
0x22: {  	_ =	swait.ge [sflag:s19], $0x80  }
0x23: {  	[sflag:s19] =	ssyncset.done $0x0  }
0x24: {  	s12 =	rddreg [dreg:$0xc];
	[sflag:s19] =	ssyncadd.s32 $0xFFFFFF80  }
0x25: {  	[tilespmem:s21], [sflag:$0x7] =	stream.linear.gather [hbm4b:s12+s6], $0x80, $0x38;
	[tilespmem:$0x16080] =	vst v63  }
0x26: {  	_ =	swait.ge [sflag:s19], $0x80  }
0x27: {  	[sflag:s19] =	ssyncset.done $0x0  }
0x28: {  	[sflag:s19] =	ssyncadd.s32 $0xFFFFFF80  }
0x29: {  	s10 =	rddreg [dreg:$0x3]  }
0x2a: {  	[tilespmem:s23], [sflag:$0x1] =	stream.indirect.gather [hbm4b:s10+s22], $0x80, s20, s22, $0xb8;
	[tilespmem:$0x16080] =	vst v63  }
0x2b: {  	s12 =	simm.s32 $0x11F00;
	s11 =	rddreg [dreg:$0x5]  }
0x2c: {  	[tilespmem:s12], [sflag:$0x1] =	stream.indirect.gather [hbm4b:s11+s22], $0x1, s20, s22, $0xb8;
	[tilespmem:$0x16080] =	vst v63  }
0x2d: {  	s11 =	rddreg [dreg:$0x9];
	s12 =	simm.s32 $0x11F80  }
0x2e: {  	[tilespmem:s12], [sflag:$0x1] =	stream.indirect.gather [hbm4b:s11+s22], $0x1, s21, s22, $0xb8;
	[tilespmem:$0x16080] =	vst v63  }
0x2f: {  	[tilespmem:$0x1D00] =	vst v0  }
0x30: {  	[tilespmem:$0x11E80] =	vst v8  }
0x31: {  	[tilespmem:$0x1D10] =	vst v1  }
0x32: {  	[tilespmem:$0x11E90] =	vst v8  }
0x33: {  	[tilespmem:$0x1D20] =	vst v2  }
0x34: {  	[tilespmem:$0x11EA0] =	vst v8  }
0x35: {  	[tilespmem:$0x1D30] =	vst v3  }
0x36: {  	[tilespmem:$0x11EB0] =	vst v8  }
0x37: {  	[tilespmem:$0x1D40] =	vst v4  }
0x38: {  	[tilespmem:$0x11EC0] =	vst v8  }
0x39: {  	[tilespmem:$0x1D50] =	vst v5  }
0x3a: {  	[tilespmem:$0x11ED0] =	vst v8  }
0x3b: {  	[tilespmem:$0x1D60] =	vst v6  }
0x3c: {  	[tilespmem:$0x11EE0] =	vst v8  }
0x3d: {  	[tilespmem:$0x1D70] =	vst v7  }
0x3e: {  	[tilespmem:$0x11EF0] =	vst v8  }
0x3f: {  	[tilespmem:s26], [sflag:$0x2] =	stream.indirect.gather [hbm4b:s2+s22], $0x80, s6, s22, $0xb8;
	[tilespmem:$0x16080] =	vst v63  }
0x40: {  	_ = 	snop  }
0x41: {  	[tilespmem:s28], [sflag:$0x4] =	stream.indirect.gather [hbm4b:s7+s22], $0x1, s6, s22, $0xb8;
	[tilespmem:$0x16080] =	vst v63  }
0x42: {  	_ =	swait.ge [sflag:s29], $0x4000  }
0x43: {  	[sflag:s29] =	ssyncset.done $0x0  }
0x44: {  	[sflag:s29] =	ssyncadd.s32 $0xFFFFC000  }
0x45: {  	[spmem:s4] =	stream.indirect.scatter [tilespmem:s26], [sflag:$0x6], $0x80, s30, s22, $0xb8;
	[tilespmem:$0x16080] =	vst v63  }
0x46: {  	_ =	swait.ge [sflag:s31], $0x80  }
0x47: {  	[sflag:s31] =	ssyncset.done $0x0  }
0x48: {  	[sflag:s31] =	ssyncadd.s32 $0xFFFFFF80  }
0x49: {  	v10 =	vld [tilespmem:$0x11E80]  }
0x4a: {  	v11 =	vld [tilespmem:$0x9D80]  }
0x4b: {  	v12 =	vld [tilespmem:$0x11E90]  }
0x4c: {  	v13 =	vld [tilespmem:$0x9D90]  }
0x4d: {  	v14 =	vld [tilespmem:$0x11EA0]  }
0x4e: {  	v15 =	vld [tilespmem:$0x9DA0]  }
0x4f: {  	v16 =	vld [tilespmem:$0x11EB0]  }
0x50: {  	v17 =	vld [tilespmem:$0x9DB0]  }
0x51: {  	v18 =	vld [tilespmem:$0x11EC0]  }
0x52: {  	v19 =	vld [tilespmem:$0x9DC0]  }
0x53: {  	v20 =	vld [tilespmem:$0x11ED0]  }
0x54: {  	v21 =	vld [tilespmem:$0x9DD0]  }
0x55: {  	v22 =	vld [tilespmem:$0x11EE0]  }
0x56: {  	v60 =	vld [tilespmem:$0x11EF0];
	v10 =	vadd.f32 v11, v10  }
0x57: {  	v11 =	vld [tilespmem:$0x9DE0];
	v12 =	vadd.f32 v13, v12  }
0x58: {  	v61 =	vld [tilespmem:$0x9DF0];
	[tilespmem:$0x11E80] =	vst v10;
	v10 =	vadd.f32 v15, v14  }
0x59: {  	v62 =	vadd.f32 v17, v16;
	[tilespmem:$0x11E90] =	vst v12  }
0x5a: {  	[tilespmem:$0x11EA0] =	vst v10;
	v10 =	vadd.f32 v19, v18  }
0x5b: {  	v63 =	vadd.f32 v21, v20;
	[tilespmem:$0x11EB0] =	vst v62  }
0x5c: {  	[tilespmem:$0x11EC0] =	vst v10;
	v10 =	vadd.f32 v11, v22  }
0x5d: {  	[tilespmem:$0x11ED0] =	vst v63;
	v11 =	vadd.f32 v61, v60  }
0x5e: {  	[tilespmem:$0x11EE0] =	vst v10  }
0x5f: {  	[tilespmem:$0x11EF0] =	vst v11  }
0x60: {  	_ =	swait.ge [sflag:s0], $0x4000  }
0x61: {  	[sflag:s0] =	ssyncset.done $0x0  }
0x62: {  	s8 =	simm.s32 $0xFFFFA000;
	[sflag:s0] =	ssyncadd.s32 $0xFFFFC000  }
.LBB2_2:
0x63: {  	s10 =	sshra.s32 s8, $0x2  }
0x64: {  	s11 =	sadd.s32 $0x1880, s10  }
0x65: {  	[tilespmem:s5], [sflag:$0x3] =	stream.indirect.gather [hbm4b:s2+s22], $0x80, s11, s22, $0xb8;
	[tilespmem:$0x16080] =	vst v63  }
0x66: {  	_ = 	snop  }
0x67: {  	[tilespmem:s1], [sflag:$0x5] =	stream.indirect.gather [hbm4b:s7+s22], $0x1, s11, s22, $0xb8;
	[tilespmem:$0x16080] =	vst v63  }
0x68: {  	s10 =	sadd.s32 $0x1900, s10  }
0x69: {  	[tilespmem:s26], [sflag:$0x2] =	stream.indirect.gather [hbm4b:s2+s22], $0x80, s10, s22, $0xb8;
	[tilespmem:$0x16080] =	vst v63  }
0x6a: {  	_ = 	snop  }
0x6b: {  	[tilespmem:s28], [sflag:$0x4] =	stream.indirect.gather [hbm4b:s7+s22], $0x1, s10, s22, $0xb8;
	[tilespmem:$0x16080] =	vst v63  }
0x6c: {  	_ =	swait.ge [sflag:s3], $0x4000  }
0x6d: {  	[sflag:s3] =	ssyncset.done $0x0  }
0x6e: {  	[sflag:s3] =	ssyncadd.s32 $0xFFFFC000  }
0x6f: {  	[spmem:s4] =	stream.indirect.scatter.add.f32 [tilespmem:s5], [sflag:$0x6], $0x80, s30, s22, $0xb8;
	[tilespmem:$0x16080] =	vst v63  }
0x70: {  	_ =	swait.ge [sflag:s16], $0x80  }
0x71: {  	[sflag:s16] =	ssyncset.done $0x0  }
0x72: {  	[sflag:s16] =	ssyncadd.s32 $0xFFFFFF80  }
0x73: {  	v10 =	vld [tilespmem:$0x11E80]  }
0x74: {  	v11 =	vld [tilespmem:$0x9E00]  }
0x75: {  	v12 =	vld [tilespmem:$0x11E90]  }
0x76: {  	v13 =	vld [tilespmem:$0x9E10]  }
0x77: {  	v14 =	vld [tilespmem:$0x11EA0]  }
0x78: {  	v15 =	vld [tilespmem:$0x9E20]  }
0x79: {  	v16 =	vld [tilespmem:$0x11EB0]  }
0x7a: {  	v17 =	vld [tilespmem:$0x9E30]  }
0x7b: {  	v18 =	vld [tilespmem:$0x11EC0]  }
0x7c: {  	v19 =	vld [tilespmem:$0x9E40]  }
0x7d: {  	v20 =	vld [tilespmem:$0x11ED0]  }
0x7e: {  	v21 =	vld [tilespmem:$0x9E50]  }
0x7f: {  	v22 =	vld [tilespmem:$0x11EE0]  }
0x80: {  	v45 =	vld [tilespmem:$0x11EF0];
	v10 =	vadd.f32 v11, v10  }
0x81: {  	v11 =	vld [tilespmem:$0x9E60];
	v12 =	vadd.f32 v13, v12  }
0x82: {  	v46 =	vld [tilespmem:$0x9E70];
	[tilespmem:$0x11E80] =	vst v10;
	v10 =	vadd.f32 v15, v14  }
0x83: {  	v47 =	vadd.f32 v17, v16;
	[tilespmem:$0x11E90] =	vst v12  }
0x84: {  	[tilespmem:$0x11EA0] =	vst v10;
	v10 =	vadd.f32 v19, v18  }
0x85: {  	v48 =	vadd.f32 v21, v20;
	[tilespmem:$0x11EB0] =	vst v47  }
0x86: {  	[tilespmem:$0x11EC0] =	vst v10;
	v10 =	vadd.f32 v11, v22  }
0x87: {  	[tilespmem:$0x11ED0] =	vst v48;
	v11 =	vadd.f32 v46, v45  }
0x88: {  	[tilespmem:$0x11EE0] =	vst v10  }
0x89: {  	[tilespmem:$0x11EF0] =	vst v11  }
0x8a: {  	_ =	swait.ge [sflag:s29], $0x4000  }
0x8b: {  	[sflag:s29] =	ssyncset.done $0x0  }
0x8c: {  	[sflag:s29] =	ssyncadd.s32 $0xFFFFC000  }
0x8d: {  	[spmem:s4] =	stream.indirect.scatter.add.f32 [tilespmem:s26], [sflag:$0x6], $0x80, s30, s22, $0xb8;
	[tilespmem:$0x16080] =	vst v63  }
0x8e: {  	_ =	swait.ge [sflag:s31], $0x80  }
0x8f: {  	[sflag:s31] =	ssyncset.done $0x0  }
0x90: {  	[sflag:s31] =	ssyncadd.s32 $0xFFFFFF80  }
0x91: {  	v10 =	vld [tilespmem:$0x11E80]  }
0x92: {  	v11 =	vld [tilespmem:$0x9D80]  }
0x93: {  	v49 =	vld [tilespmem:$0x11E90]  }
0x94: {  	v50 =	vld [tilespmem:$0x9D90]  }
0x95: {  	v51 =	vld [tilespmem:$0x11EA0]  }
0x96: {  	v52 =	vld [tilespmem:$0x9DA0]  }
0x97: {  	v53 =	vld [tilespmem:$0x11EB0]  }
0x98: {  	v54 =	vld [tilespmem:$0x9DB0]  }
0x99: {  	v55 =	vld [tilespmem:$0x11EC0]  }
0x9a: {  	v56 =	vld [tilespmem:$0x9DC0]  }
0x9b: {  	v57 =	vld [tilespmem:$0x11ED0]  }
0x9c: {  	v58 =	vld [tilespmem:$0x9DD0]  }
0x9d: {  	v59 =	vld [tilespmem:$0x11EE0]  }
0x9e: {  	v60 =	vld [tilespmem:$0x11EF0];
	v10 =	vadd.f32 v11, v10  }
0x9f: {  	v11 =	vld [tilespmem:$0x9DE0];
	v12 =	vadd.f32 v50, v49  }
0xa0: {  	v61 =	vld [tilespmem:$0x9DF0];
	[tilespmem:$0x11E80] =	vst v10;
	v10 =	vadd.f32 v52, v51  }
0xa1: {  	v62 =	vadd.f32 v54, v53;
	[tilespmem:$0x11E90] =	vst v12  }
0xa2: {  	[tilespmem:$0x11EA0] =	vst v10;
	v10 =	vadd.f32 v56, v55  }
0xa3: {  	v63 =	vadd.f32 v58, v57;
	[tilespmem:$0x11EB0] =	vst v62  }
0xa4: {  	[tilespmem:$0x11EC0] =	vst v10;
	v10 =	vadd.f32 v11, v59  }
0xa5: {  	[tilespmem:$0x11ED0] =	vst v63;
	v11 =	vadd.f32 v61, v60  }
0xa6: {  	[tilespmem:$0x11EE0] =	vst v10  }
0xa7: {  	[tilespmem:$0x11EF0] =	vst v11  }
0xa8: {  	p0 =	sne.s32 s8, $0xFFFFFC00;
	_ =	swait.ge [sflag:s0], $0x4000  }
.Ltmp0:
0xa9: {  	[sflag:s0] =	ssyncset.done $0x0;
	(pc) =	sbr.rel @p0 .LBB2_2-.Ltmp0, $4  }
0xaa: {  	[sflag:s0] =	ssyncadd.s32 $0xFFFFC000  }
0xab: {  	_ =	swait.ge [sflag:s0], $0x4000  }
0xac: {  	[sflag:s0] =	ssyncset.done $0x0  }
0xad: {  	s8 =	sadd.s32 $0x400, s8;
	[sflag:s0] =	ssyncadd.s32 $0xFFFFC000  }
0xae: {  	[tilespmem:s5], [sflag:$0x3] =	stream.indirect.gather [hbm4b:s2+s22], $0x80, s17, s22, $0xb8;
	[tilespmem:$0x16080] =	vst v63  }
0xaf: {  	_ = 	snop  }
0xb0: {  	[tilespmem:s1], [sflag:$0x5] =	stream.indirect.gather [hbm4b:s7+s22], $0x1, s17, s22, $0xb8;
	[tilespmem:$0x16080] =	vst v63  }
0xb1: {  	_ =	swait.ge [sflag:s3], $0x4000  }
0xb2: {  	[sflag:s3] =	ssyncset.done $0x0  }
0xb3: {  	[sflag:s3] =	ssyncadd.s32 $0xFFFFC000  }
0xb4: {  	[spmem:s4] =	stream.indirect.scatter.add.f32 [tilespmem:s5], [sflag:$0x6], $0x80, s30, s22, $0xb8;
	[tilespmem:$0x16080] =	vst v63  }
0xb5: {  	_ =	swait.ge [sflag:s16], $0x80  }
0xb6: {  	[sflag:s16] =	ssyncset.done $0x0  }
0xb7: {  	[sflag:s16] =	ssyncadd.s32 $0xFFFFFF80  }
0xb8: {  	v10 =	vld [tilespmem:$0x11E80]  }
0xb9: {  	v11 =	vld [tilespmem:$0x9E00]  }
0xba: {  	v12 =	vld [tilespmem:$0x11E90]  }
0xbb: {  	v13 =	vld [tilespmem:$0x9E10]  }
0xbc: {  	v14 =	vld [tilespmem:$0x11EA0]  }
0xbd: {  	v15 =	vld [tilespmem:$0x9E20]  }
0xbe: {  	v16 =	vld [tilespmem:$0x11EB0]  }
0xbf: {  	v17 =	vld [tilespmem:$0x9E30]  }
0xc0: {  	v18 =	vld [tilespmem:$0x11EC0]  }
0xc1: {  	v19 =	vld [tilespmem:$0x9E40]  }
0xc2: {  	v20 =	vld [tilespmem:$0x11ED0]  }
0xc3: {  	v21 =	vld [tilespmem:$0x9E50]  }
0xc4: {  	v22 =	vld [tilespmem:$0x11EE0]  }
0xc5: {  	v60 =	vld [tilespmem:$0x11EF0];
	v10 =	vadd.f32 v11, v10  }
0xc6: {  	v11 =	vld [tilespmem:$0x9E60];
	v12 =	vadd.f32 v13, v12  }
0xc7: {  	v61 =	vld [tilespmem:$0x9E70];
	[tilespmem:$0x11E80] =	vst v10;
	v10 =	vadd.f32 v15, v14  }
0xc8: {  	v62 =	vadd.f32 v17, v16;
	[tilespmem:$0x11E90] =	vst v12  }
0xc9: {  	[tilespmem:$0x11EA0] =	vst v10;
	v10 =	vadd.f32 v19, v18  }
0xca: {  	v63 =	vadd.f32 v21, v20;
	[tilespmem:$0x11EB0] =	vst v62  }
0xcb: {  	[tilespmem:$0x11EC0] =	vst v10;
	v10 =	vadd.f32 v11, v22  }
0xcc: {  	[tilespmem:$0x11ED0] =	vst v63;
	v11 =	vadd.f32 v61, v60  }
0xcd: {  	[tilespmem:$0x11EE0] =	vst v10  }
0xce: {  	[tilespmem:$0x11EF0] =	vst v11  }
0xcf: {  	_ =	swait.ge [sflag:s0], $0x4000  }
0xd0: {  	[sflag:s0] =	ssyncset.done $0x0  }
0xd1: {  	[sflag:s0] =	ssyncadd.s32 $0xFFFFC000  }
0xd2: {  	[tilespmem:s18], [sflag:$0x7] =	stream.linear.gather [spmem:s13], $0x4000, $0x38;
	[tilespmem:$0x16080] =	vst v63  }
0xd3: {  	_ =	swait.ge [sflag:s19], $0x4000  }
0xd4: {  	[sflag:s19] =	ssyncset.done $0x0  }
0xd5: {  	[sflag:s19] =	ssyncadd.s32 $0xFFFFC000  }
0xd6: {  	_ =	swait.ge [sflag:s24], $0x4000  }
0xd7: {  	[sflag:s24] =	ssyncset.done $0x0  }
0xd8: {  	[sflag:s24] =	ssyncadd.s32 $0xFFFFC000  }
0xd9: {  	_ =	swait.ge [sflag:s24], $0x80  }
0xda: {  	[sflag:s24] =	ssyncset.done $0x0  }
0xdb: {  	[sflag:s24] =	ssyncadd.s32 $0xFFFFFF80  }
0xdc: {  	_ =	swait.ge [sflag:s24], $0x80  }
0xdd: {  	[sflag:s24] =	ssyncset.done $0x0  }
0xde: {  	s8 =	simm.s32 $0x0;
	s10 =	simm.s32 $0x0;
	[sflag:s24] =	ssyncadd.s32 $0xFFFFFF80  }
.LBB2_4:
0xdf: {  	s11 =	sshll.u32 s10, $0x4;
	v10 =	vmov s8  }
0xe0: {  	v11 =	vmov s11;
	v10 =	vand.u32 $0x7F, v10  }
0xe1: {  	v11 =	vshll.u32 v11, $0x7;
	v12 =	vbroadcast v10, $0x0  }
0xe2: {  	v10 =	vor.u32 v9, v11  }
0xe3: {  	s12 =	simm.s32 $0x1;
	v11 =	vor.u32 v10, v12  }
0xe4: {  	v12 =	vmov s12  }
0xe5: {  	v12 =	vand.u32 $0x7F, v12  }
0xe6: {  	v12 =	vbroadcast v12, $0x0;
	_ =	sdelay $0x1  }
0xe7: {  	v13 =	vor.u32 v10, v12;
	v15 =	vld.idx.msk [tilespmem:v11+s18+$0x0], $0xffff  }
0xe8: {  	s12 =	simm.s32 $0x2;
	v16 =	vld.idx.msk [tilespmem:v11+s23+$0x0], $0xffff  }
0xe9: {  	v11 =	vmov s12  }
0xea: {  	v11 =	vand.u32 $0x7F, v11  }
0xeb: {  	v14 =	vbroadcast v11, $0x0  }
0xec: {  	v11 =	vld.idx.msk [tilespmem:v13+s18+$0x0], $0xffff  }
0xed: {  	v12 =	vimm.f32 $0.0e+00;
	s12 =	simm.s32 $0x3;
	v14 =	vor.u32 v10, v14;
	v13 =	vld.idx.msk [tilespmem:v13+s23+$0x0], $0xffff;
	v15 =	vmul.f32 v16, v15  }
.LBB2_5:
0xee: {  	p0 =	sne.s32 s12, $0x7F  }
.Ltmp1:
0xef: {  	v16 =	vmov s12;
	v12 =	vadd.f32 v15, v12;
	(pc) =	sbr.rel @p0 .LBB2_5-.Ltmp1, $4  }
0xf0: {  	s12 =	sadd.s32 $0x1, s12;
	v17 =	vand.u32 $0x7F, v16  }
0xf1: {  	v16 =	vbroadcast v17, $0x0  }
0xf2: {  	v15 =	vmov v11;
	v11 =	vld.idx.msk [tilespmem:v14+s18+$0x0], $0xffff  }
0xf3: {  	v15 =	vmul.f32 v13, v15;
	v13 =	vld.idx.msk [tilespmem:v14+s23+$0x0], $0xffff;
	v14 =	vor.u32 v10, v16  }
0xf4: {  	_ =	sdelay $0x3  }
0xf5: {  	v10 =	vld.idx.msk [tilespmem:v14+s18+$0x0], $0xffff  }
0xf6: {  	v61 =	vld.idx.msk [tilespmem:v14+s23+$0x0], $0xffff;
	_ =	sdelay $0x1  }
0xf7: {  	v16 =	vld [tilespmem:s11+$0x11E80]  }
0xf8: {  	v12 =	vadd.f32 v15, v12;
	v11 =	vmul.f32 v13, v11  }
0xf9: {  	v62 =	vld [tilespmem:s11+$0x11F00]  }
0xfa: {  	v10 =	vmul.f32 v61, v10;
	v11 =	vadd.f32 v11, v12;
	_ =	sdelay $0x1  }
0xfb: {  	v10 =	vadd.f32 v10, v11;
	v11 =	vmul.f32 $1.999999960e-02, v16  }
0xfc: {  	v63 =	vld [tilespmem:s11+$0x11F80]  }
0xfd: {  	s10 =	sadd.s32 $0x1, s10;
	v11 =	vadd.f32 v11, v62;
	v10 =	vmul.f32 $1.999999960e-02, v10  }
0xfe: {  	p0 =	sne.s32 s10, $0x8  }
.Ltmp2:
0xff: {  	v10 =	vadd.f32 v11, v10;
	(pc) =	sbr.rel @p0 .LBB2_4-.Ltmp2, $3  }
0x100: {  	_ = 	snop  }
0x101: {  	v10 =	vadd.f32 v10, v63;
	_ =	sdelay $0x1  }
0x102: {  	[tilespmem:s11+$0x12000] =	vst v10  }
0x103: {  	s25 =	sadd.s32 $0x1, s25  }
0x104: {  	p0 =	sne.s32 s25, s15  }
.Ltmp3:
0x105: {  	s8 =	simm.s32 $0x12000;
	(pc) =	sbr.rel @p0 .LBB2_1-.Ltmp3, $4  }
0x106: {  	[hbm4b:s14+s6] =	stream.linear.scatter [tilespmem:s8], [sflag:$0x7], $0x80, $0x38;
	[tilespmem:$0x16080] =	vst v63  }
0x107: {  	_ =	swait.ge [sflag:s19], $0x80  }
0x108: {  	[sflag:s19] =	ssyncset.done $0x0  }
0x109: {  	[sflag:s19] =	ssyncadd.s32 $0xFFFFFF80  }
0x10a: {  	_ =	sfence.sel $0x180000  }
0x10b: {  	[bflag:$0x0] =	sbarrier.arrive $0xFFFF  }
0x10c: {  	_ =	strace $0x90000047  }
0x10d: {  	s0 =	stileid.u32;
	[bflag:$0x2] =	sbarrier.arrive $0xFFFF  }
0x10e: {  	p0 =	sne.s32 s0, $0x0;
	s0 =	rddreg [dreg:$0x8]  }
0x10f: {  	s0 =	sadd.s32 @!p0 $0x100000, s0  }
0x110: {  	[sflag:s0] =	ssyncadd.tile.s32 @!p0 $0x1;
	_ =	shalt  }
.Lfunc_end2:
_tile_overlayer_lowered:
.L_overlay_start_2:
0x111: {  	(tag) =	ssettag $0x2  }
0x112: {  	s0 =	rddreg [dreg:$0x0];
	s2 =	stileid.u32  }
0x113: {  	s1 =	rddreg [dreg:$0x1];
	p0 =	sne.s32 s2, $0x0  }
0x114: {  	s3 =	rddreg [dreg:$0x2];
	[bflag:$0x3] =	sbarrier.arrive $0xFFFF;
	s2 =	simm.s32 @!p0 $0x1C07  }
0x115: {  	[timem:s3], [sflag:s2] =	dma.local @!p0 [hbm:s0], s1  }
0x116: {  	s0 =	simm.s32 @!p0 $0x7  }
0x117: {  	_ =	swait.ge @!p0 [sflag:s0], s1  }
0x118: {  	s1 =	ssub.s32 @!p0 $0x0, s1;
	[sflag:s0] =	ssyncset.done @!p0 $0x0  }
0x119: {  	[sflag:s0] =	ssyncadd.s32 @!p0 s1  }
0x11a: {  	[bflag:$0x3] =	sbarrier.arrive $0xFFFF  }
0x11b: {  	_ =	shalt  }

</sc_bundles>
